<compile_context>
chip_gen: v7x
topology: tpu7x:2x2x1
jax: 0.10.2.dev20260603
libtpu: 0.0.44.dev20260713+nightly
codegen_flags: <defaults>
</compile_context>

<pallas_src>
import functools

import jax
import jax.numpy as jnp
from jax import lax
from jax.experimental import pallas as pl
from jax.experimental.pallas import tpu as pltpu
from jax.experimental.pallas import tpu_sc as plsc

D = 32
K = 8192
NCB = 4
TB = 1024

NC = 2
NS = 16
NW = NC * NS

_SC_PARAMS = pltpu.CompilerParams(needs_layout_passes=False,
                                  use_tc_tiling_on_sc=False)


def _fused_argmin(x, et2):
    mm2 = lax.dot_general(x, et2, (((1,), (0,)), ((), ())),
                          preferred_element_type=jnp.float32)
    x2 = jnp.sum(x * x, axis=1, keepdims=True)
    e2 = 0.25 * jnp.sum(et2 * et2, axis=0, keepdims=True)
    d2 = x2 + e2 - mm2
    return jnp.argmin(d2, axis=1).astype(jnp.int32)


def _stage0_body(x_ref, et2_ref, idx_ref):
    idx = _fused_argmin(x_ref[...], et2_ref[...])
    idx_ref[...] = idx.reshape(1, 1, TB)


def _tc_stage0(x, et2):
    nblk = x.shape[0] // TB
    return pl.pallas_call(
        _stage0_body,
        grid=(nblk,),
        in_specs=[
            pl.BlockSpec((TB, D), lambda i: (i, 0)),
            pl.BlockSpec((D, K), lambda i: (0, 0)),
        ],
        out_specs=pl.BlockSpec((1, 1, TB), lambda i: (i, 0, 0)),
        out_shape=jax.ShapeDtypeStruct((nblk, 1, TB), jnp.int32),
    )(x, et2)


def _stage_body(xp_ref, qp_ref, et2_ref, idx_ref, x_ref, ssq_ref):
    x = xp_ref[...] - qp_ref[...]
    x_ref[...] = x

    @pl.when(pl.program_id(0) == 0)
    def _():
        ssq_ref[0, 0] = 0.0

    ssq_ref[0, 0] += jnp.sum(x * x)
    idx = _fused_argmin(x, et2_ref[...])
    idx_ref[...] = idx.reshape(1, 1, TB)


def _tc_stage(xp, qp, et2):
    nblk = xp.shape[0] // TB
    return pl.pallas_call(
        _stage_body,
        grid=(nblk,),
        in_specs=[
            pl.BlockSpec((TB, D), lambda i: (i, 0)),
            pl.BlockSpec((TB, D), lambda i: (i, 0)),
            pl.BlockSpec((D, K), lambda i: (0, 0)),
        ],
        out_specs=[
            pl.BlockSpec((1, 1, TB), lambda i: (i, 0, 0)),
            pl.BlockSpec((TB, D), lambda i: (i, 0)),
            pl.BlockSpec(memory_space=pltpu.SMEM),
        ],
        out_shape=[
            jax.ShapeDtypeStruct((nblk, 1, TB), jnp.int32),
            jax.ShapeDtypeStruct(xp.shape, jnp.float32),
            jax.ShapeDtypeStruct((1, 1), jnp.float32),
        ],
    )(xp, qp, et2)


def _tail_body(x0_ref, x3_ref, q3_ref, qt_ref, ssq_ref):
    q3 = q3_ref[...]
    x3 = x3_ref[...]
    qt_ref[...] = (x0_ref[...] - x3) + q3
    x4 = x3 - q3

    @pl.when(pl.program_id(0) == 0)
    def _():
        ssq_ref[0, 0] = 0.0

    ssq_ref[0, 0] += jnp.sum(x4 * x4)


def _tc_tail(x0, x3, q3):
    nblk = x0.shape[0] // TB
    return pl.pallas_call(
        _tail_body,
        grid=(nblk,),
        in_specs=[
            pl.BlockSpec((TB, D), lambda i: (i, 0)),
            pl.BlockSpec((TB, D), lambda i: (i, 0)),
            pl.BlockSpec((TB, D), lambda i: (i, 0)),
        ],
        out_specs=[
            pl.BlockSpec((TB, D), lambda i: (i, 0)),
            pl.BlockSpec(memory_space=pltpu.SMEM),
        ],
        out_shape=[
            jax.ShapeDtypeStruct(x0.shape, jnp.float32),
            jax.ShapeDtypeStruct((1, 1), jnp.float32),
        ],
    )(x0, x3, q3)


def _make_sc_stage(n_tokens):
    bpw = n_tokens // NW
    mesh = plsc.VectorSubcoreMesh(core_axis_name="c", subcore_axis_name="s")

    @functools.partial(
        pl.kernel,
        mesh=mesh,
        compiler_params=_SC_PARAMS,
        out_type=[
            jax.ShapeDtypeStruct((n_tokens, D), jnp.float32),
            jax.ShapeDtypeStruct((NW, K), jnp.float32),
        ],
        scratch_types=[
            pltpu.VMEM((bpw,), jnp.int32),
            pltpu.VMEM((bpw, D), jnp.float32),
            pltpu.VMEM((K,), jnp.float32),
            pltpu.SemaphoreType.DMA,
        ],
    )
    def sc_stage(emb_hbm, idx_hbm, q_hbm, fl_hbm, idx_v, rows_v, flag_v, sem):
        wid = lax.axis_index("s") * NC + lax.axis_index("c")
        base = wid * bpw
        pltpu.sync_copy(idx_hbm.at[pl.ds(base, bpw)], idx_v)
        gather = pltpu.async_copy(emb_hbm.at[idx_v], rows_v, sem)

        zeros16 = jnp.zeros((16,), jnp.float32)
        def zbody(i, carry):
            flag_v[pl.ds(i * 16, 16)] = zeros16
            return carry
        lax.fori_loop(0, K // 16, zbody, 0)

        ones16 = jnp.ones((16,), jnp.float32)
        def sbody(i, carry):
            iv = idx_v[pl.ds(i * 16, 16)]
            plsc.store_scatter(flag_v, [iv], ones16)
            return carry
        lax.fori_loop(0, bpw // 16, sbody, 0)

        pltpu.sync_copy(flag_v, fl_hbm.at[wid])
        gather.wait()
        pltpu.sync_copy(rows_v, q_hbm.at[pl.ds(base, bpw)])

    return sc_stage


def _final_body(fl_ref, s0_ref, s1_ref, s2_ref, s3_ref,
                loss_ref, util_ref, n_total):
    used = jnp.float32(0.0)
    for i in range(NCB):
        tot = jnp.sum(fl_ref[i], axis=0)
        used += jnp.sum((tot > 0.0).astype(jnp.float32))
    util_ref[0, 0] = used / (K * NCB)
    ssq = s0_ref[0, 0] + s1_ref[0, 0] + s2_ref[0, 0] + s3_ref[0, 0]
    loss_ref[0, 0] = ssq * 2.0 / n_total / NCB


def _tc_final(flags, s0, s1, s2, s3, n_total):
    body = functools.partial(_final_body, n_total=float(n_total))
    smem = pl.BlockSpec(memory_space=pltpu.SMEM)
    return pl.pallas_call(
        body,
        in_specs=[pl.BlockSpec((NCB, NW, K), lambda: (0, 0, 0)),
                  smem, smem, smem, smem],
        out_specs=[smem, smem],
        out_shape=[
            jax.ShapeDtypeStruct((1, 1), jnp.float32),
            jax.ShapeDtypeStruct((1, 1), jnp.float32),
        ],
    )(flags, s0, s1, s2, s3)


def kernel(z, embeds):
    bz, d, tz = z.shape
    n = bz * tz
    x0 = z.transpose(0, 2, 1).reshape(n, d)
    embeds_t2 = embeds.transpose(0, 2, 1) * 2.0
    sc_stage = _make_sc_stage(n)

    idx0 = _tc_stage0(x0, embeds_t2[0])
    q, fl0 = sc_stage(embeds[0], idx0.reshape(n))

    x = x0
    idxs, flags, ssqs = [idx0], [fl0], []
    for i in range(1, NCB):
        idx, x, ssq = _tc_stage(x, q, embeds_t2[i])
        q, fl = sc_stage(embeds[i], idx.reshape(n))
        idxs.append(idx)
        flags.append(fl)
        ssqs.append(ssq)

    qt, ssq_last = _tc_tail(x0, x, q)
    ssqs.append(ssq_last)

    loss, util = _tc_final(jnp.stack(flags), *ssqs, n_total=n * d)
    quantized_total = qt.reshape(bz, tz, d).transpose(0, 2, 1)
    all_indices = jnp.stack([ix.reshape(n) for ix in idxs]).reshape(NCB, bz, tz)
    return (quantized_total, all_indices, loss.reshape(()), util.reshape(()))

# --- scband reference (transcript-rebuilt; emitter-appended) ---
"""Pipeline reference for scband-vocos-vqcodec-87265145520609 (READ-ONLY COPY).

The authoritative reference and input builder live on the scoring server;
editing this copy changes nothing except your own understanding.
"""

import jax, jax.numpy as jnp
import numpy as np

DIM = 32
K = 8192
NCB = 4
B, T = 8, 2048


def setup_inputs(seed: int = 0) -> dict:
    key = jax.random.key(seed)
    k1, k2 = jax.random.split(key)
    z = jax.random.normal(k1, (B, DIM, T), dtype=jnp.float32)
    # Learned codebooks for each residual VQ stage, init matches nn.Parameter(randn*0.02)
    embeds = jax.random.normal(k2, (NCB, K, DIM), dtype=jnp.float32) * 0.02
    return {"z": z, "embeds": embeds}


def _vq(x_flat, embed):
    # torch.cdist (euclidean) via ||x||^2 + ||e||^2 - 2 x.e
    x2 = jnp.sum(x_flat ** 2, axis=1, keepdims=True)
    e2 = jnp.sum(embed ** 2, axis=1)[None, :]
    d2 = jnp.clip(x2 + e2 - 2.0 * (x_flat @ embed.T), 0.0, None)
    dist = jnp.sqrt(d2)
    indices = jnp.argmin(dist, axis=1)
    quantized = jnp.take(embed, indices, axis=0)
    commitment_loss = jnp.mean((x_flat - jax.lax.stop_gradient(quantized)) ** 2)
    codebook_loss = jnp.mean((quantized - jax.lax.stop_gradient(x_flat)) ** 2)
    quantized_st = x_flat + jax.lax.stop_gradient(quantized - x_flat)
    util = jnp.sum(jnp.bincount(indices, length=K) > 0).astype(jnp.float32) / K
    return quantized_st, indices, commitment_loss + codebook_loss, util


def reference(z, embeds):
    Bz, D, Tz = z.shape
    residual = z
    quantized_total = jnp.zeros_like(z)
    total_loss = jnp.float32(0.0)
    total_util = jnp.float32(0.0)
    idx_list = []
    for i in range(NCB):
        x_flat = residual.transpose(0, 2, 1).reshape(-1, D)
        q_st_flat, indices, loss, util = _vq(x_flat, embeds[i])
        q_st = q_st_flat.reshape(Bz, Tz, D).transpose(0, 2, 1)
        residual = residual - jax.lax.stop_gradient(q_st)
        quantized_total = quantized_total + q_st
        total_loss = total_loss + loss
        total_util = total_util + util
        idx_list.append(indices.reshape(Bz, Tz))
    all_indices = jnp.stack(idx_list, axis=0)
    return (quantized_total, all_indices, total_loss / NCB, total_util / NCB)

if __name__ == "__main__":
    import jax
    _d = setup_inputs()
    print(jax.jit(kernel)(*tuple(_d.values())))

</pallas_src>

<mosaic_0001>
#map = affine_map<(d0, d1) -> (0, 0)>
#map1 = affine_map<(d0, d1) -> (0)>
module attributes {stable_mosaic.version = 14 : i64} {
  func.func @sc_stage(%arg0: i32, %arg1: i32, %arg2: memref<8192x32xf32, #tpu.memory_space<hbm>>, %arg3: memref<16384xi32, #tpu.memory_space<hbm>>, %arg4: memref<16384x32xf32, #tpu.memory_space<hbm>>, %arg5: memref<32x8192xf32, #tpu.memory_space<hbm>>, %arg6: memref<512xi32, #tpu.memory_space<vmem>>, %arg7: memref<512x32xf32, #tpu.memory_space<vmem>>, %arg8: memref<8192xf32, #tpu.memory_space<vmem>>, %arg9: memref<!tpu.dma_semaphore, #tpu.memory_space<semaphore_mem>>) attributes {dimension_semantics = [#tpu.dimension_semantics<core_parallel>, #tpu.dimension_semantics<subcore_parallel>], iteration_bounds = array<i64: 2, 16>, scalar_prefetch = 0 : i64, scratch_operands = 4 : i64, tpu.core_type = #tpu.core_type<sc_vector_subcore>, window_params = [{transform_indices = #map}, {transform_indices = #map1}, {transform_indices = #map}, {transform_indices = #map}]} {
    %mul3A = arith.constant 2 : i32
    %mul3A_0 = arith.muli %arg1, %mul3A : i32
    %add3A = arith.addi %mul3A_0, %arg0 : i32
    %mul3A_1 = arith.constant 512 : i32
    %mul3A_2 = arith.muli %add3A, %mul3A_1 : i32
    "tpu.region"() ({
      %run_scoped3A = tpu.sem_alloc : memref<!tpu.dma_semaphore, #tpu.memory_space<semaphore_mem>>
      %dma_start3A_21 = tpu.memref_slice %arg3[%mul3A_2] : memref<16384xi32, #tpu.memory_space<hbm>> -> memref<512xi32, #tpu.memory_space<hbm>>
      %dma_start3A_22 = tpu.memref_slice %arg3[%mul3A_2] : memref<16384xi32, #tpu.memory_space<hbm>> -> memref<512xi32, #tpu.memory_space<hbm>>
      tpu.enqueue_dma source(%dma_start3A_22 : memref<512xi32, #tpu.memory_space<hbm>>) target(%arg6 : memref<512xi32, #tpu.memory_space<vmem>>) target_semaphore(%run_scoped3A : memref<!tpu.dma_semaphore, #tpu.memory_space<semaphore_mem>>)
      %dma_wait3A_23 = tpu.memref_slice %arg3[%mul3A_2] : memref<16384xi32, #tpu.memory_space<hbm>> -> memref<512xi32, #tpu.memory_space<hbm>>
      %dma_wait3A_24 = tpu.memref_slice %arg3[%mul3A_2] : memref<16384xi32, #tpu.memory_space<hbm>> -> memref<512xi32, #tpu.memory_space<hbm>>
      tpu.wait_dma2 semaphore(%run_scoped3A : memref<!tpu.dma_semaphore, #tpu.memory_space<semaphore_mem>>) src(%dma_wait3A_24 : memref<512xi32, #tpu.memory_space<hbm>>) dst(%arg6 : memref<512xi32, #tpu.memory_space<vmem>>)
      tpu.yield
    }) : () -> ()
    %dma_start3A = arith.constant 0 : i32
    %dma_start3A_3 = arith.constant 0 : i32
    %dma_start3A_4 = tpu.memref_slice %arg2[%dma_start3A, %dma_start3A_3] : memref<8192x32xf32, #tpu.memory_space<hbm>> -> memref<8192x32xf32, #tpu.memory_space<hbm>>
    tpu.enqueue_indirect_dma source(%dma_start3A_4 : memref<8192x32xf32, #tpu.memory_space<hbm>>) target(%arg7 : memref<512x32xf32, #tpu.memory_space<vmem>>) offsets(%arg6 : memref<512xi32, #tpu.memory_space<vmem>>) semaphore(%arg9 : memref<!tpu.dma_semaphore, #tpu.memory_space<semaphore_mem>>)
    %broadcast_in_dim3A = arith.constant 0.000000e+00 : f32
    %broadcast_in_dim3A_5 = vector.broadcast %broadcast_in_dim3A : f32 to vector<16xf32>
    %scan3A = arith.constant 0 : i32
    %scan3A_6 = arith.constant 0 : i32
    %scan3A_7 = arith.constant 512 : i32
    %scan3A_8 = arith.addi %scan3A_6, %scan3A_7 : i32
    %scan3A_9 = arith.constant 1 : i32
    scf.for %scan3A_21 = %scan3A_6 to %scan3A_8 step %scan3A_9  : i32 {
      %mul3A_22 = arith.constant 16 : i32
      %mul3A_23 = arith.muli %scan3A_21, %mul3A_22 : i32
      %swap3A = arith.index_cast %mul3A_23 : i32 to index
      %swap3A_24 = tpu.vector_load %arg8[%swap3A] {strides = array<i32>} : memref<8192xf32, #tpu.memory_space<vmem>>, vector<16xf32>,
      tpu.vector_store %arg8[%swap3A], %broadcast_in_dim3A_5 {strides = array<i32>} : memref<8192xf32, #tpu.memory_space<vmem>>, vector<16xf32>,
    }
    %scan3A_10 = arith.constant 512 : i32
    %broadcast_in_dim3A_11 = arith.constant 1.000000e+00 : f32
    %broadcast_in_dim3A_12 = vector.broadcast %broadcast_in_dim3A_11 : f32 to vector<16xf32>
    %scan3A_13 = arith.constant 0 : i32
    %scan3A_14 = arith.constant 0 : i32
    %scan3A_15 = arith.constant 32 : i32
    %scan3A_16 = arith.addi %scan3A_14, %scan3A_15 : i32
    %scan3A_17 = arith.constant 1 : i32
    scf.for %scan3A_21 = %scan3A_14 to %scan3A_16 step %scan3A_17  : i32 {
      %mul3A_22 = arith.constant 16 : i32
      %mul3A_23 = arith.muli %scan3A_21, %mul3A_22 : i32
      %get3A = arith.index_cast %mul3A_23 : i32 to index
      %get3A_24 = tpu.vector_load %arg6[%get3A] {strides = array<i32>} : memref<512xi32, #tpu.memory_space<vmem>>, vector<16xi32>,
      tpu.vector_store_idx %arg8[%get3A_24], %broadcast_in_dim3A_12 : memref<8192xf32, #tpu.memory_space<vmem>>[vector<16xi32>], vector<16xf32>,
    }
    %scan3A_18 = arith.constant 32 : i32
    "tpu.region"() ({
      %run_scoped3A = tpu.sem_alloc : memref<!tpu.dma_semaphore, #tpu.memory_space<semaphore_mem>>
      %dma_start3A_21 = arith.constant 0 : i32
      %dma_start3A_22 = tpu.memref_slice %arg5[%add3A, %dma_start3A_21] : memref<32x8192xf32, #tpu.memory_space<hbm>> -> memref<1x8192xf32, #tpu.memory_space<hbm>>
      %dma_start3A_23 = tpu.memref_squeeze %dma_start3A_22 : memref<1x8192xf32, #tpu.memory_space<hbm>> -> memref<8192xf32, #tpu.memory_space<hbm>>
      %dma_start3A_24 = arith.constant 0 : i32
      %dma_start3A_25 = tpu.memref_slice %arg5[%add3A, %dma_start3A_24] : memref<32x8192xf32, #tpu.memory_space<hbm>> -> memref<1x8192xf32, #tpu.memory_space<hbm>>
      %dma_start3A_26 = tpu.memref_squeeze %dma_start3A_25 : memref<1x8192xf32, #tpu.memory_space<hbm>> -> memref<8192xf32, #tpu.memory_space<hbm>>
      tpu.enqueue_dma source(%arg8 : memref<8192xf32, #tpu.memory_space<vmem>>) target(%dma_start3A_26 : memref<8192xf32, #tpu.memory_space<hbm>>) target_semaphore(%run_scoped3A : memref<!tpu.dma_semaphore, #tpu.memory_space<semaphore_mem>>)
      %dma_wait3A_27 = arith.constant 0 : i32
      %dma_wait3A_28 = tpu.memref_slice %arg5[%add3A, %dma_wait3A_27] : memref<32x8192xf32, #tpu.memory_space<hbm>> -> memref<1x8192xf32, #tpu.memory_space<hbm>>
      %dma_wait3A_29 = tpu.memref_squeeze %dma_wait3A_28 : memref<1x8192xf32, #tpu.memory_space<hbm>> -> memref<8192xf32, #tpu.memory_space<hbm>>
      %dma_wait3A_30 = arith.constant 0 : i32
      %dma_wait3A_31 = tpu.memref_slice %arg5[%add3A, %dma_wait3A_30] : memref<32x8192xf32, #tpu.memory_space<hbm>> -> memref<1x8192xf32, #tpu.memory_space<hbm>>
      %dma_wait3A_32 = tpu.memref_squeeze %dma_wait3A_31 : memref<1x8192xf32, #tpu.memory_space<hbm>> -> memref<8192xf32, #tpu.memory_space<hbm>>
      tpu.wait_dma2 semaphore(%run_scoped3A : memref<!tpu.dma_semaphore, #tpu.memory_space<semaphore_mem>>) src(%arg8 : memref<8192xf32, #tpu.memory_space<vmem>>) dst(%dma_wait3A_32 : memref<8192xf32, #tpu.memory_space<hbm>>)
      tpu.yield
    }) : () -> ()
    %dma_wait3A = arith.constant 0 : i32
    %dma_wait3A_19 = arith.constant 0 : i32
    %dma_wait3A_20 = tpu.memref_slice %arg2[%dma_wait3A, %dma_wait3A_19] : memref<8192x32xf32, #tpu.memory_space<hbm>> -> memref<8192x32xf32, #tpu.memory_space<hbm>>
    tpu.wait_indirect_dma semaphore(%arg9 : memref<!tpu.dma_semaphore, #tpu.memory_space<semaphore_mem>>) src(%dma_wait3A_20 : memref<8192x32xf32, #tpu.memory_space<hbm>>) dst(%arg7 : memref<512x32xf32, #tpu.memory_space<vmem>>)
    "tpu.region"() ({
      %run_scoped3A = tpu.sem_alloc : memref<!tpu.dma_semaphore, #tpu.memory_space<semaphore_mem>>
      %dma_start3A_21 = arith.constant 0 : i32
      %dma_start3A_22 = tpu.memref_slice %arg4[%mul3A_2, %dma_start3A_21] : memref<16384x32xf32, #tpu.memory_space<hbm>> -> memref<512x32xf32, #tpu.memory_space<hbm>>
      %dma_start3A_23 = arith.constant 0 : i32
      %dma_start3A_24 = tpu.memref_slice %arg4[%mul3A_2, %dma_start3A_23] : memref<16384x32xf32, #tpu.memory_space<hbm>> -> memref<512x32xf32, #tpu.memory_space<hbm>>
      tpu.enqueue_dma source(%arg7 : memref<512x32xf32, #tpu.memory_space<vmem>>) target(%dma_start3A_24 : memref<512x32xf32, #tpu.memory_space<hbm>>) target_semaphore(%run_scoped3A : memref<!tpu.dma_semaphore, #tpu.memory_space<semaphore_mem>>)
      %dma_wait3A_25 = arith.constant 0 : i32
      %dma_wait3A_26 = tpu.memref_slice %arg4[%mul3A_2, %dma_wait3A_25] : memref<16384x32xf32, #tpu.memory_space<hbm>> -> memref<512x32xf32, #tpu.memory_space<hbm>>
      %dma_wait3A_27 = arith.constant 0 : i32
      %dma_wait3A_28 = tpu.memref_slice %arg4[%mul3A_2, %dma_wait3A_27] : memref<16384x32xf32, #tpu.memory_space<hbm>> -> memref<512x32xf32, #tpu.memory_space<hbm>>
      tpu.wait_dma2 semaphore(%run_scoped3A : memref<!tpu.dma_semaphore, #tpu.memory_space<semaphore_mem>>) src(%arg7 : memref<512x32xf32, #tpu.memory_space<vmem>>) dst(%dma_wait3A_28 : memref<512x32xf32, #tpu.memory_space<hbm>>)
      tpu.yield
    }) : () -> ()
    return
  }
}

#map = affine_map<(d0, d1) -> (0, 0)>
#map1 = affine_map<(d0, d1) -> (0)>
module attributes {stable_mosaic.version = 14 : i64} {
  func.func @sc_stage(%arg0: i32, %arg1: i32, %arg2: memref<8192x32xf32, #tpu.memory_space<hbm>>, %arg3: memref<16384xi32, #tpu.memory_space<hbm>>, %arg4: memref<16384x32xf32, #tpu.memory_space<hbm>>, %arg5: memref<32x8192xf32, #tpu.memory_space<hbm>>, %arg6: memref<512xi32, #tpu.memory_space<vmem>>, %arg7: memref<512x32xf32, #tpu.memory_space<vmem>>, %arg8: memref<8192xf32, #tpu.memory_space<vmem>>, %arg9: memref<!tpu.dma_semaphore, #tpu.memory_space<semaphore_mem>>) attributes {dimension_semantics = [#tpu.dimension_semantics<core_parallel>, #tpu.dimension_semantics<subcore_parallel>], iteration_bounds = array<i64: 2, 16>, scalar_prefetch = 0 : i64, scratch_operands = 4 : i64, tpu.core_type = #tpu.core_type<sc_vector_subcore>, window_params = [{transform_indices = #map}, {transform_indices = #map1}, {transform_indices = #map}, {transform_indices = #map}]} {
    %mul3A = arith.constant 2 : i32
    %mul3A_0 = arith.muli %arg1, %mul3A : i32
    %add3A = arith.addi %mul3A_0, %arg0 : i32
    %mul3A_1 = arith.constant 512 : i32
    %mul3A_2 = arith.muli %add3A, %mul3A_1 : i32
    "tpu.region"() ({
      %run_scoped3A = tpu.sem_alloc : memref<!tpu.dma_semaphore, #tpu.memory_space<semaphore_mem>>
      %dma_start3A_21 = tpu.memref_slice %arg3[%mul3A_2] : memref<16384xi32, #tpu.memory_space<hbm>> -> memref<512xi32, #tpu.memory_space<hbm>>
      %dma_start3A_22 = tpu.memref_slice %arg3[%mul3A_2] : memref<16384xi32, #tpu.memory_space<hbm>> -> memref<512xi32, #tpu.memory_space<hbm>>
      tpu.enqueue_dma source(%dma_start3A_22 : memref<512xi32, #tpu.memory_space<hbm>>) target(%arg6 : memref<512xi32, #tpu.memory_space<vmem>>) target_semaphore(%run_scoped3A : memref<!tpu.dma_semaphore, #tpu.memory_space<semaphore_mem>>)
      %dma_wait3A_23 = tpu.memref_slice %arg3[%mul3A_2] : memref<16384xi32, #tpu.memory_space<hbm>> -> memref<512xi32, #tpu.memory_space<hbm>>
      %dma_wait3A_24 = tpu.memref_slice %arg3[%mul3A_2] : memref<16384xi32, #tpu.memory_space<hbm>> -> memref<512xi32, #tpu.memory_space<hbm>>
      tpu.wait_dma2 semaphore(%run_scoped3A : memref<!tpu.dma_semaphore, #tpu.memory_space<semaphore_mem>>) src(%dma_wait3A_24 : memref<512xi32, #tpu.memory_space<hbm>>) dst(%arg6 : memref<512xi32, #tpu.memory_space<vmem>>)
      tpu.yield
    }) : () -> ()
    %dma_start3A = arith.constant 0 : i32
    %dma_start3A_3 = arith.constant 0 : i32
    %dma_start3A_4 = tpu.memref_slice %arg2[%dma_start3A, %dma_start3A_3] : memref<8192x32xf32, #tpu.memory_space<hbm>> -> memref<8192x32xf32, #tpu.memory_space<hbm>>
    tpu.enqueue_indirect_dma source(%dma_start3A_4 : memref<8192x32xf32, #tpu.memory_space<hbm>>) target(%arg7 : memref<512x32xf32, #tpu.memory_space<vmem>>) offsets(%arg6 : memref<512xi32, #tpu.memory_space<vmem>>) semaphore(%arg9 : memref<!tpu.dma_semaphore, #tpu.memory_space<semaphore_mem>>)
    %broadcast_in_dim3A = arith.constant 0.000000e+00 : f32
    %broadcast_in_dim3A_5 = vector.broadcast %broadcast_in_dim3A : f32 to vector<16xf32>
    %scan3A = arith.constant 0 : i32
    %scan3A_6 = arith.constant 0 : i32
    %scan3A_7 = arith.constant 512 : i32
    %scan3A_8 = arith.addi %scan3A_6, %scan3A_7 : i32
    %scan3A_9 = arith.constant 1 : i32
    scf.for %scan3A_21 = %scan3A_6 to %scan3A_8 step %scan3A_9  : i32 {
      %mul3A_22 = arith.constant 16 : i32
      %mul3A_23 = arith.muli %scan3A_21, %mul3A_22 : i32
      %swap3A = arith.index_cast %mul3A_23 : i32 to index
      %swap3A_24 = tpu.vector_load %arg8[%swap3A] {strides = array<i32>} : memref<8192xf32, #tpu.memory_space<vmem>>, vector<16xf32>,
      tpu.vector_store %arg8[%swap3A], %broadcast_in_dim3A_5 {strides = array<i32>} : memref<8192xf32, #tpu.memory_space<vmem>>, vector<16xf32>,
    }
    %scan3A_10 = arith.constant 512 : i32
    %broadcast_in_dim3A_11 = arith.constant 1.000000e+00 : f32
    %broadcast_in_dim3A_12 = vector.broadcast %broadcast_in_dim3A_11 : f32 to vector<16xf32>
    %scan3A_13 = arith.constant 0 : i32
    %scan3A_14 = arith.constant 0 : i32
    %scan3A_15 = arith.constant 32 : i32
    %scan3A_16 = arith.addi %scan3A_14, %scan3A_15 : i32
    %scan3A_17 = arith.constant 1 : i32
    scf.for %scan3A_21 = %scan3A_14 to %scan3A_16 step %scan3A_17  : i32 {
      %mul3A_22 = arith.constant 16 : i32
      %mul3A_23 = arith.muli %scan3A_21, %mul3A_22 : i32
      %get3A = arith.index_cast %mul3A_23 : i32 to index
      %get3A_24 = tpu.vector_load %arg6[%get3A] {strides = array<i32>} : memref<512xi32, #tpu.memory_space<vmem>>, vector<16xi32>,
      tpu.vector_store_idx %arg8[%get3A_24], %broadcast_in_dim3A_12 : memref<8192xf32, #tpu.memory_space<vmem>>[vector<16xi32>], vector<16xf32>,
    }
    %scan3A_18 = arith.constant 32 : i32
    "tpu.region"() ({
      %run_scoped3A = tpu.sem_alloc : memref<!tpu.dma_semaphore, #tpu.memory_space<semaphore_mem>>
      %dma_start3A_21 = arith.constant 0 : i32
      %dma_start3A_22 = tpu.memref_slice %arg5[%add3A, %dma_start3A_21] : memref<32x8192xf32, #tpu.memory_space<hbm>> -> memref<1x8192xf32, #tpu.memory_space<hbm>>
      %dma_start3A_23 = tpu.memref_squeeze %dma_start3A_22 : memref<1x8192xf32, #tpu.memory_space<hbm>> -> memref<8192xf32, #tpu.memory_space<hbm>>
      %dma_start3A_24 = arith.constant 0 : i32
      %dma_start3A_25 = tpu.memref_slice %arg5[%add3A, %dma_start3A_24] : memref<32x8192xf32, #tpu.memory_space<hbm>> -> memref<1x8192xf32, #tpu.memory_space<hbm>>
      %dma_start3A_26 = tpu.memref_squeeze %dma_start3A_25 : memref<1x8192xf32, #tpu.memory_space<hbm>> -> memref<8192xf32, #tpu.memory_space<hbm>>
      tpu.enqueue_dma source(%arg8 : memref<8192xf32, #tpu.memory_space<vmem>>) target(%dma_start3A_26 : memref<8192xf32, #tpu.memory_space<hbm>>) target_semaphore(%run_scoped3A : memref<!tpu.dma_semaphore, #tpu.memory_space<semaphore_mem>>)
      %dma_wait3A_27 = arith.constant 0 : i32
      %dma_wait3A_28 = tpu.memref_slice %arg5[%add3A, %dma_wait3A_27] : memref<32x8192xf32, #tpu.memory_space<hbm>> -> memref<1x8192xf32, #tpu.memory_space<hbm>>
      %dma_wait3A_29 = tpu.memref_squeeze %dma_wait3A_28 : memref<1x8192xf32, #tpu.memory_space<hbm>> -> memref<8192xf32, #tpu.memory_space<hbm>>
      %dma_wait3A_30 = arith.constant 0 : i32
      %dma_wait3A_31 = tpu.memref_slice %arg5[%add3A, %dma_wait3A_30] : memref<32x8192xf32, #tpu.memory_space<hbm>> -> memref<1x8192xf32, #tpu.memory_space<hbm>>
      %dma_wait3A_32 = tpu.memref_squeeze %dma_wait3A_31 : memref<1x8192xf32, #tpu.memory_space<hbm>> -> memref<8192xf32, #tpu.memory_space<hbm>>
      tpu.wait_dma2 semaphore(%run_scoped3A : memref<!tpu.dma_semaphore, #tpu.memory_space<semaphore_mem>>) src(%arg8 : memref<8192xf32, #tpu.memory_space<vmem>>) dst(%dma_wait3A_32 : memref<8192xf32, #tpu.memory_space<hbm>>)
      tpu.yield
    }) : () -> ()
    %dma_wait3A = arith.constant 0 : i32
    %dma_wait3A_19 = arith.constant 0 : i32
    %dma_wait3A_20 = tpu.memref_slice %arg2[%dma_wait3A, %dma_wait3A_19] : memref<8192x32xf32, #tpu.memory_space<hbm>> -> memref<8192x32xf32, #tpu.memory_space<hbm>>
    tpu.wait_indirect_dma semaphore(%arg9 : memref<!tpu.dma_semaphore, #tpu.memory_space<semaphore_mem>>) src(%dma_wait3A_20 : memref<8192x32xf32, #tpu.memory_space<hbm>>) dst(%arg7 : memref<512x32xf32, #tpu.memory_space<vmem>>)
    "tpu.region"() ({
      %run_scoped3A = tpu.sem_alloc : memref<!tpu.dma_semaphore, #tpu.memory_space<semaphore_mem>>
      %dma_start3A_21 = arith.constant 0 : i32
      %dma_start3A_22 = tpu.memref_slice %arg4[%mul3A_2, %dma_start3A_21] : memref<16384x32xf32, #tpu.memory_space<hbm>> -> memref<512x32xf32, #tpu.memory_space<hbm>>
      %dma_start3A_23 = arith.constant 0 : i32
      %dma_start3A_24 = tpu.memref_slice %arg4[%mul3A_2, %dma_start3A_23] : memref<16384x32xf32, #tpu.memory_space<hbm>> -> memref<512x32xf32, #tpu.memory_space<hbm>>
      tpu.enqueue_dma source(%arg7 : memref<512x32xf32, #tpu.memory_space<vmem>>) target(%dma_start3A_24 : memref<512x32xf32, #tpu.memory_space<hbm>>) target_semaphore(%run_scoped3A : memref<!tpu.dma_semaphore, #tpu.memory_space<semaphore_mem>>)
      %dma_wait3A_25 = arith.constant 0 : i32
      %dma_wait3A_26 = tpu.memref_slice %arg4[%mul3A_2, %dma_wait3A_25] : memref<16384x32xf32, #tpu.memory_space<hbm>> -> memref<512x32xf32, #tpu.memory_space<hbm>>
      %dma_wait3A_27 = arith.constant 0 : i32
      %dma_wait3A_28 = tpu.memref_slice %arg4[%mul3A_2, %dma_wait3A_27] : memref<16384x32xf32, #tpu.memory_space<hbm>> -> memref<512x32xf32, #tpu.memory_space<hbm>>
      tpu.wait_dma2 semaphore(%run_scoped3A : memref<!tpu.dma_semaphore, #tpu.memory_space<semaphore_mem>>) src(%arg7 : memref<512x32xf32, #tpu.memory_space<vmem>>) dst(%dma_wait3A_28 : memref<512x32xf32, #tpu.memory_space<hbm>>)
      tpu.yield
    }) : () -> ()
    return
  }
}

#map = affine_map<(d0, d1) -> (0, 0)>
#map1 = affine_map<(d0, d1) -> (0)>
module attributes {stable_mosaic.version = 14 : i64} {
  func.func @sc_stage(%arg0: i32, %arg1: i32, %arg2: memref<8192x32xf32, #tpu.memory_space<hbm>>, %arg3: memref<16384xi32, #tpu.memory_space<hbm>>, %arg4: memref<16384x32xf32, #tpu.memory_space<hbm>>, %arg5: memref<32x8192xf32, #tpu.memory_space<hbm>>, %arg6: memref<512xi32, #tpu.memory_space<vmem>>, %arg7: memref<512x32xf32, #tpu.memory_space<vmem>>, %arg8: memref<8192xf32, #tpu.memory_space<vmem>>, %arg9: memref<!tpu.dma_semaphore, #tpu.memory_space<semaphore_mem>>) attributes {dimension_semantics = [#tpu.dimension_semantics<core_parallel>, #tpu.dimension_semantics<subcore_parallel>], iteration_bounds = array<i64: 2, 16>, scalar_prefetch = 0 : i64, scratch_operands = 4 : i64, tpu.core_type = #tpu.core_type<sc_vector_subcore>, window_params = [{transform_indices = #map}, {transform_indices = #map1}, {transform_indices = #map}, {transform_indices = #map}]} {
    %mul3A = arith.constant 2 : i32
    %mul3A_0 = arith.muli %arg1, %mul3A : i32
    %add3A = arith.addi %mul3A_0, %arg0 : i32
    %mul3A_1 = arith.constant 512 : i32
    %mul3A_2 = arith.muli %add3A, %mul3A_1 : i32
    "tpu.region"() ({
      %run_scoped3A = tpu.sem_alloc : memref<!tpu.dma_semaphore, #tpu.memory_space<semaphore_mem>>
      %dma_start3A_21 = tpu.memref_slice %arg3[%mul3A_2] : memref<16384xi32, #tpu.memory_space<hbm>> -> memref<512xi32, #tpu.memory_space<hbm>>
      %dma_start3A_22 = tpu.memref_slice %arg3[%mul3A_2] : memref<16384xi32, #tpu.memory_space<hbm>> -> memref<512xi32, #tpu.memory_space<hbm>>
      tpu.enqueue_dma source(%dma_start3A_22 : memref<512xi32, #tpu.memory_space<hbm>>) target(%arg6 : memref<512xi32, #tpu.memory_space<vmem>>) target_semaphore(%run_scoped3A : memref<!tpu.dma_semaphore, #tpu.memory_space<semaphore_mem>>)
      %dma_wait3A_23 = tpu.memref_slice %arg3[%mul3A_2] : memref<16384xi32, #tpu.memory_space<hbm>> -> memref<512xi32, #tpu.memory_space<hbm>>
      %dma_wait3A_24 = tpu.memref_slice %arg3[%mul3A_2] : memref<16384xi32, #tpu.memory_space<hbm>> -> memref<512xi32, #tpu.memory_space<hbm>>
      tpu.wait_dma2 semaphore(%run_scoped3A : memref<!tpu.dma_semaphore, #tpu.memory_space<semaphore_mem>>) src(%dma_wait3A_24 : memref<512xi32, #tpu.memory_space<hbm>>) dst(%arg6 : memref<512xi32, #tpu.memory_space<vmem>>)
      tpu.yield
    }) : () -> ()
    %dma_start3A = arith.constant 0 : i32
    %dma_start3A_3 = arith.constant 0 : i32
    %dma_start3A_4 = tpu.memref_slice %arg2[%dma_start3A, %dma_start3A_3] : memref<8192x32xf32, #tpu.memory_space<hbm>> -> memref<8192x32xf32, #tpu.memory_space<hbm>>
    tpu.enqueue_indirect_dma source(%dma_start3A_4 : memref<8192x32xf32, #tpu.memory_space<hbm>>) target(%arg7 : memref<512x32xf32, #tpu.memory_space<vmem>>) offsets(%arg6 : memref<512xi32, #tpu.memory_space<vmem>>) semaphore(%arg9 : memref<!tpu.dma_semaphore, #tpu.memory_space<semaphore_mem>>)
    %broadcast_in_dim3A = arith.constant 0.000000e+00 : f32
    %broadcast_in_dim3A_5 = vector.broadcast %broadcast_in_dim3A : f32 to vector<16xf32>
    %scan3A = arith.constant 0 : i32
    %scan3A_6 = arith.constant 0 : i32
    %scan3A_7 = arith.constant 512 : i32
    %scan3A_8 = arith.addi %scan3A_6, %scan3A_7 : i32
    %scan3A_9 = arith.constant 1 : i32
    scf.for %scan3A_21 = %scan3A_6 to %scan3A_8 step %scan3A_9  : i32 {
      %mul3A_22 = arith.constant 16 : i32
      %mul3A_23 = arith.muli %scan3A_21, %mul3A_22 : i32
      %swap3A = arith.index_cast %mul3A_23 : i32 to index
      %swap3A_24 = tpu.vector_load %arg8[%swap3A] {strides = array<i32>} : memref<8192xf32, #tpu.memory_space<vmem>>, vector<16xf32>,
      tpu.vector_store %arg8[%swap3A], %broadcast_in_dim3A_5 {strides = array<i32>} : memref<8192xf32, #tpu.memory_space<vmem>>, vector<16xf32>,
    }
    %scan3A_10 = arith.constant 512 : i32
    %broadcast_in_dim3A_11 = arith.constant 1.000000e+00 : f32
    %broadcast_in_dim3A_12 = vector.broadcast %broadcast_in_dim3A_11 : f32 to vector<16xf32>
    %scan3A_13 = arith.constant 0 : i32
    %scan3A_14 = arith.constant 0 : i32
    %scan3A_15 = arith.constant 32 : i32
    %scan3A_16 = arith.addi %scan3A_14, %scan3A_15 : i32
    %scan3A_17 = arith.constant 1 : i32
    scf.for %scan3A_21 = %scan3A_14 to %scan3A_16 step %scan3A_17  : i32 {
      %mul3A_22 = arith.constant 16 : i32
      %mul3A_23 = arith.muli %scan3A_21, %mul3A_22 : i32
      %get3A = arith.index_cast %mul3A_23 : i32 to index
      %get3A_24 = tpu.vector_load %arg6[%get3A] {strides = array<i32>} : memref<512xi32, #tpu.memory_space<vmem>>, vector<16xi32>,
      tpu.vector_store_idx %arg8[%get3A_24], %broadcast_in_dim3A_12 : memref<8192xf32, #tpu.memory_space<vmem>>[vector<16xi32>], vector<16xf32>,
    }
    %scan3A_18 = arith.constant 32 : i32
    "tpu.region"() ({
      %run_scoped3A = tpu.sem_alloc : memref<!tpu.dma_semaphore, #tpu.memory_space<semaphore_mem>>
      %dma_start3A_21 = arith.constant 0 : i32
      %dma_start3A_22 = tpu.memref_slice %arg5[%add3A, %dma_start3A_21] : memref<32x8192xf32, #tpu.memory_space<hbm>> -> memref<1x8192xf32, #tpu.memory_space<hbm>>
      %dma_start3A_23 = tpu.memref_squeeze %dma_start3A_22 : memref<1x8192xf32, #tpu.memory_space<hbm>> -> memref<8192xf32, #tpu.memory_space<hbm>>
      %dma_start3A_24 = arith.constant 0 : i32
      %dma_start3A_25 = tpu.memref_slice %arg5[%add3A, %dma_start3A_24] : memref<32x8192xf32, #tpu.memory_space<hbm>> -> memref<1x8192xf32, #tpu.memory_space<hbm>>
      %dma_start3A_26 = tpu.memref_squeeze %dma_start3A_25 : memref<1x8192xf32, #tpu.memory_space<hbm>> -> memref<8192xf32, #tpu.memory_space<hbm>>
      tpu.enqueue_dma source(%arg8 : memref<8192xf32, #tpu.memory_space<vmem>>) target(%dma_start3A_26 : memref<8192xf32, #tpu.memory_space<hbm>>) target_semaphore(%run_scoped3A : memref<!tpu.dma_semaphore, #tpu.memory_space<semaphore_mem>>)
      %dma_wait3A_27 = arith.constant 0 : i32
      %dma_wait3A_28 = tpu.memref_slice %arg5[%add3A, %dma_wait3A_27] : memref<32x8192xf32, #tpu.memory_space<hbm>> -> memref<1x8192xf32, #tpu.memory_space<hbm>>
      %dma_wait3A_29 = tpu.memref_squeeze %dma_wait3A_28 : memref<1x8192xf32, #tpu.memory_space<hbm>> -> memref<8192xf32, #tpu.memory_space<hbm>>
      %dma_wait3A_30 = arith.constant 0 : i32
      %dma_wait3A_31 = tpu.memref_slice %arg5[%add3A, %dma_wait3A_30] : memref<32x8192xf32, #tpu.memory_space<hbm>> -> memref<1x8192xf32, #tpu.memory_space<hbm>>
      %dma_wait3A_32 = tpu.memref_squeeze %dma_wait3A_31 : memref<1x8192xf32, #tpu.memory_space<hbm>> -> memref<8192xf32, #tpu.memory_space<hbm>>
      tpu.wait_dma2 semaphore(%run_scoped3A : memref<!tpu.dma_semaphore, #tpu.memory_space<semaphore_mem>>) src(%arg8 : memref<8192xf32, #tpu.memory_space<vmem>>) dst(%dma_wait3A_32 : memref<8192xf32, #tpu.memory_space<hbm>>)
      tpu.yield
    }) : () -> ()
    %dma_wait3A = arith.constant 0 : i32
    %dma_wait3A_19 = arith.constant 0 : i32
    %dma_wait3A_20 = tpu.memref_slice %arg2[%dma_wait3A, %dma_wait3A_19] : memref<8192x32xf32, #tpu.memory_space<hbm>> -> memref<8192x32xf32, #tpu.memory_space<hbm>>
    tpu.wait_indirect_dma semaphore(%arg9 : memref<!tpu.dma_semaphore, #tpu.memory_space<semaphore_mem>>) src(%dma_wait3A_20 : memref<8192x32xf32, #tpu.memory_space<hbm>>) dst(%arg7 : memref<512x32xf32, #tpu.memory_space<vmem>>)
    "tpu.region"() ({
      %run_scoped3A = tpu.sem_alloc : memref<!tpu.dma_semaphore, #tpu.memory_space<semaphore_mem>>
      %dma_start3A_21 = arith.constant 0 : i32
      %dma_start3A_22 = tpu.memref_slice %arg4[%mul3A_2, %dma_start3A_21] : memref<16384x32xf32, #tpu.memory_space<hbm>> -> memref<512x32xf32, #tpu.memory_space<hbm>>
      %dma_start3A_23 = arith.constant 0 : i32
      %dma_start3A_24 = tpu.memref_slice %arg4[%mul3A_2, %dma_start3A_23] : memref<16384x32xf32, #tpu.memory_space<hbm>> -> memref<512x32xf32, #tpu.memory_space<hbm>>
      tpu.enqueue_dma source(%arg7 : memref<512x32xf32, #tpu.memory_space<vmem>>) target(%dma_start3A_24 : memref<512x32xf32, #tpu.memory_space<hbm>>) target_semaphore(%run_scoped3A : memref<!tpu.dma_semaphore, #tpu.memory_space<semaphore_mem>>)
      %dma_wait3A_25 = arith.constant 0 : i32
      %dma_wait3A_26 = tpu.memref_slice %arg4[%mul3A_2, %dma_wait3A_25] : memref<16384x32xf32, #tpu.memory_space<hbm>> -> memref<512x32xf32, #tpu.memory_space<hbm>>
      %dma_wait3A_27 = arith.constant 0 : i32
      %dma_wait3A_28 = tpu.memref_slice %arg4[%mul3A_2, %dma_wait3A_27] : memref<16384x32xf32, #tpu.memory_space<hbm>> -> memref<512x32xf32, #tpu.memory_space<hbm>>
      tpu.wait_dma2 semaphore(%run_scoped3A : memref<!tpu.dma_semaphore, #tpu.memory_space<semaphore_mem>>) src(%arg7 : memref<512x32xf32, #tpu.memory_space<vmem>>) dst(%dma_wait3A_28 : memref<512x32xf32, #tpu.memory_space<hbm>>)
      tpu.yield
    }) : () -> ()
    return
  }
}

#map = affine_map<(d0, d1) -> (0, 0)>
#map1 = affine_map<(d0, d1) -> (0)>
module attributes {stable_mosaic.version = 14 : i64} {
  func.func @sc_stage(%arg0: i32, %arg1: i32, %arg2: memref<8192x32xf32, #tpu.memory_space<hbm>>, %arg3: memref<16384xi32, #tpu.memory_space<hbm>>, %arg4: memref<16384x32xf32, #tpu.memory_space<hbm>>, %arg5: memref<32x8192xf32, #tpu.memory_space<hbm>>, %arg6: memref<512xi32, #tpu.memory_space<vmem>>, %arg7: memref<512x32xf32, #tpu.memory_space<vmem>>, %arg8: memref<8192xf32, #tpu.memory_space<vmem>>, %arg9: memref<!tpu.dma_semaphore, #tpu.memory_space<semaphore_mem>>) attributes {dimension_semantics = [#tpu.dimension_semantics<core_parallel>, #tpu.dimension_semantics<subcore_parallel>], iteration_bounds = array<i64: 2, 16>, scalar_prefetch = 0 : i64, scratch_operands = 4 : i64, tpu.core_type = #tpu.core_type<sc_vector_subcore>, window_params = [{transform_indices = #map}, {transform_indices = #map1}, {transform_indices = #map}, {transform_indices = #map}]} {
    %mul3A = arith.constant 2 : i32
    %mul3A_0 = arith.muli %arg1, %mul3A : i32
    %add3A = arith.addi %mul3A_0, %arg0 : i32
    %mul3A_1 = arith.constant 512 : i32
    %mul3A_2 = arith.muli %add3A, %mul3A_1 : i32
    "tpu.region"() ({
      %run_scoped3A = tpu.sem_alloc : memref<!tpu.dma_semaphore, #tpu.memory_space<semaphore_mem>>
      %dma_start3A_21 = tpu.memref_slice %arg3[%mul3A_2] : memref<16384xi32, #tpu.memory_space<hbm>> -> memref<512xi32, #tpu.memory_space<hbm>>
      %dma_start3A_22 = tpu.memref_slice %arg3[%mul3A_2] : memref<16384xi32, #tpu.memory_space<hbm>> -> memref<512xi32, #tpu.memory_space<hbm>>
      tpu.enqueue_dma source(%dma_start3A_22 : memref<512xi32, #tpu.memory_space<hbm>>) target(%arg6 : memref<512xi32, #tpu.memory_space<vmem>>) target_semaphore(%run_scoped3A : memref<!tpu.dma_semaphore, #tpu.memory_space<semaphore_mem>>)
      %dma_wait3A_23 = tpu.memref_slice %arg3[%mul3A_2] : memref<16384xi32, #tpu.memory_space<hbm>> -> memref<512xi32, #tpu.memory_space<hbm>>
      %dma_wait3A_24 = tpu.memref_slice %arg3[%mul3A_2] : memref<16384xi32, #tpu.memory_space<hbm>> -> memref<512xi32, #tpu.memory_space<hbm>>
      tpu.wait_dma2 semaphore(%run_scoped3A : memref<!tpu.dma_semaphore, #tpu.memory_space<semaphore_mem>>) src(%dma_wait3A_24 : memref<512xi32, #tpu.memory_space<hbm>>) dst(%arg6 : memref<512xi32, #tpu.memory_space<vmem>>)
      tpu.yield
    }) : () -> ()
    %dma_start3A = arith.constant 0 : i32
    %dma_start3A_3 = arith.constant 0 : i32
    %dma_start3A_4 = tpu.memref_slice %arg2[%dma_start3A, %dma_start3A_3] : memref<8192x32xf32, #tpu.memory_space<hbm>> -> memref<8192x32xf32, #tpu.memory_space<hbm>>
    tpu.enqueue_indirect_dma source(%dma_start3A_4 : memref<8192x32xf32, #tpu.memory_space<hbm>>) target(%arg7 : memref<512x32xf32, #tpu.memory_space<vmem>>) offsets(%arg6 : memref<512xi32, #tpu.memory_space<vmem>>) semaphore(%arg9 : memref<!tpu.dma_semaphore, #tpu.memory_space<semaphore_mem>>)
    %broadcast_in_dim3A = arith.constant 0.000000e+00 : f32
    %broadcast_in_dim3A_5 = vector.broadcast %broadcast_in_dim3A : f32 to vector<16xf32>
    %scan3A = arith.constant 0 : i32
    %scan3A_6 = arith.constant 0 : i32
    %scan3A_7 = arith.constant 512 : i32
    %scan3A_8 = arith.addi %scan3A_6, %scan3A_7 : i32
    %scan3A_9 = arith.constant 1 : i32
    scf.for %scan3A_21 = %scan3A_6 to %scan3A_8 step %scan3A_9  : i32 {
      %mul3A_22 = arith.constant 16 : i32
      %mul3A_23 = arith.muli %scan3A_21, %mul3A_22 : i32
      %swap3A = arith.index_cast %mul3A_23 : i32 to index
      %swap3A_24 = tpu.vector_load %arg8[%swap3A] {strides = array<i32>} : memref<8192xf32, #tpu.memory_space<vmem>>, vector<16xf32>,
      tpu.vector_store %arg8[%swap3A], %broadcast_in_dim3A_5 {strides = array<i32>} : memref<8192xf32, #tpu.memory_space<vmem>>, vector<16xf32>,
    }
    %scan3A_10 = arith.constant 512 : i32
    %broadcast_in_dim3A_11 = arith.constant 1.000000e+00 : f32
    %broadcast_in_dim3A_12 = vector.broadcast %broadcast_in_dim3A_11 : f32 to vector<16xf32>
    %scan3A_13 = arith.constant 0 : i32
    %scan3A_14 = arith.constant 0 : i32
    %scan3A_15 = arith.constant 32 : i32
    %scan3A_16 = arith.addi %scan3A_14, %scan3A_15 : i32
    %scan3A_17 = arith.constant 1 : i32
    scf.for %scan3A_21 = %scan3A_14 to %scan3A_16 step %scan3A_17  : i32 {
      %mul3A_22 = arith.constant 16 : i32
      %mul3A_23 = arith.muli %scan3A_21, %mul3A_22 : i32
      %get3A = arith.index_cast %mul3A_23 : i32 to index
      %get3A_24 = tpu.vector_load %arg6[%get3A] {strides = array<i32>} : memref<512xi32, #tpu.memory_space<vmem>>, vector<16xi32>,
      tpu.vector_store_idx %arg8[%get3A_24], %broadcast_in_dim3A_12 : memref<8192xf32, #tpu.memory_space<vmem>>[vector<16xi32>], vector<16xf32>,
    }
    %scan3A_18 = arith.constant 32 : i32
    "tpu.region"() ({
      %run_scoped3A = tpu.sem_alloc : memref<!tpu.dma_semaphore, #tpu.memory_space<semaphore_mem>>
      %dma_start3A_21 = arith.constant 0 : i32
      %dma_start3A_22 = tpu.memref_slice %arg5[%add3A, %dma_start3A_21] : memref<32x8192xf32, #tpu.memory_space<hbm>> -> memref<1x8192xf32, #tpu.memory_space<hbm>>
      %dma_start3A_23 = tpu.memref_squeeze %dma_start3A_22 : memref<1x8192xf32, #tpu.memory_space<hbm>> -> memref<8192xf32, #tpu.memory_space<hbm>>
      %dma_start3A_24 = arith.constant 0 : i32
      %dma_start3A_25 = tpu.memref_slice %arg5[%add3A, %dma_start3A_24] : memref<32x8192xf32, #tpu.memory_space<hbm>> -> memref<1x8192xf32, #tpu.memory_space<hbm>>
      %dma_start3A_26 = tpu.memref_squeeze %dma_start3A_25 : memref<1x8192xf32, #tpu.memory_space<hbm>> -> memref<8192xf32, #tpu.memory_space<hbm>>
      tpu.enqueue_dma source(%arg8 : memref<8192xf32, #tpu.memory_space<vmem>>) target(%dma_start3A_26 : memref<8192xf32, #tpu.memory_space<hbm>>) target_semaphore(%run_scoped3A : memref<!tpu.dma_semaphore, #tpu.memory_space<semaphore_mem>>)
      %dma_wait3A_27 = arith.constant 0 : i32
      %dma_wait3A_28 = tpu.memref_slice %arg5[%add3A, %dma_wait3A_27] : memref<32x8192xf32, #tpu.memory_space<hbm>> -> memref<1x8192xf32, #tpu.memory_space<hbm>>
      %dma_wait3A_29 = tpu.memref_squeeze %dma_wait3A_28 : memref<1x8192xf32, #tpu.memory_space<hbm>> -> memref<8192xf32, #tpu.memory_space<hbm>>
      %dma_wait3A_30 = arith.constant 0 : i32
      %dma_wait3A_31 = tpu.memref_slice %arg5[%add3A, %dma_wait3A_30] : memref<32x8192xf32, #tpu.memory_space<hbm>> -> memref<1x8192xf32, #tpu.memory_space<hbm>>
      %dma_wait3A_32 = tpu.memref_squeeze %dma_wait3A_31 : memref<1x8192xf32, #tpu.memory_space<hbm>> -> memref<8192xf32, #tpu.memory_space<hbm>>
      tpu.wait_dma2 semaphore(%run_scoped3A : memref<!tpu.dma_semaphore, #tpu.memory_space<semaphore_mem>>) src(%arg8 : memref<8192xf32, #tpu.memory_space<vmem>>) dst(%dma_wait3A_32 : memref<8192xf32, #tpu.memory_space<hbm>>)
      tpu.yield
    }) : () -> ()
    %dma_wait3A = arith.constant 0 : i32
    %dma_wait3A_19 = arith.constant 0 : i32
    %dma_wait3A_20 = tpu.memref_slice %arg2[%dma_wait3A, %dma_wait3A_19] : memref<8192x32xf32, #tpu.memory_space<hbm>> -> memref<8192x32xf32, #tpu.memory_space<hbm>>
    tpu.wait_indirect_dma semaphore(%arg9 : memref<!tpu.dma_semaphore, #tpu.memory_space<semaphore_mem>>) src(%dma_wait3A_20 : memref<8192x32xf32, #tpu.memory_space<hbm>>) dst(%arg7 : memref<512x32xf32, #tpu.memory_space<vmem>>)
    "tpu.region"() ({
      %run_scoped3A = tpu.sem_alloc : memref<!tpu.dma_semaphore, #tpu.memory_space<semaphore_mem>>
      %dma_start3A_21 = arith.constant 0 : i32
      %dma_start3A_22 = tpu.memref_slice %arg4[%mul3A_2, %dma_start3A_21] : memref<16384x32xf32, #tpu.memory_space<hbm>> -> memref<512x32xf32, #tpu.memory_space<hbm>>
      %dma_start3A_23 = arith.constant 0 : i32
      %dma_start3A_24 = tpu.memref_slice %arg4[%mul3A_2, %dma_start3A_23] : memref<16384x32xf32, #tpu.memory_space<hbm>> -> memref<512x32xf32, #tpu.memory_space<hbm>>
      tpu.enqueue_dma source(%arg7 : memref<512x32xf32, #tpu.memory_space<vmem>>) target(%dma_start3A_24 : memref<512x32xf32, #tpu.memory_space<hbm>>) target_semaphore(%run_scoped3A : memref<!tpu.dma_semaphore, #tpu.memory_space<semaphore_mem>>)
      %dma_wait3A_25 = arith.constant 0 : i32
      %dma_wait3A_26 = tpu.memref_slice %arg4[%mul3A_2, %dma_wait3A_25] : memref<16384x32xf32, #tpu.memory_space<hbm>> -> memref<512x32xf32, #tpu.memory_space<hbm>>
      %dma_wait3A_27 = arith.constant 0 : i32
      %dma_wait3A_28 = tpu.memref_slice %arg4[%mul3A_2, %dma_wait3A_27] : memref<16384x32xf32, #tpu.memory_space<hbm>> -> memref<512x32xf32, #tpu.memory_space<hbm>>
      tpu.wait_dma2 semaphore(%run_scoped3A : memref<!tpu.dma_semaphore, #tpu.memory_space<semaphore_mem>>) src(%arg7 : memref<512x32xf32, #tpu.memory_space<vmem>>) dst(%dma_wait3A_28 : memref<512x32xf32, #tpu.memory_space<hbm>>)
      tpu.yield
    }) : () -> ()
    return
  }
}

module attributes {stable_mosaic.version = 14 : i64} {
  func.func @_stage0_body(%arg0: i32, %arg1: memref<1024x32xf32, #tpu.memory_space<vmem>>, %arg2: memref<32x8192xf32, #tpu.memory_space<vmem>>, %arg3: memref<1x1x1024xi32, #tpu.memory_space<vmem>>) attributes {dimension_semantics = [#tpu.dimension_semantics<arbitrary>], iteration_bounds = array<i64: 16>, scalar_prefetch = 0 : i64, scratch_operands = 0 : i64, tpu.core_type = #tpu.core_type<tc>, window_params = [{transform_indices = @transform_0, window_bounds = array<i64: 1024, 32>}, {pipeline_mode = #tpu.pipeline_mode<synchronous>, transform_indices = @transform_1, window_bounds = array<i64: 32, 8192>}, {transform_indices = @transform_2, window_bounds = array<i64: 1, 1, 1024>}]} {
    %get3A = arith.constant 0 : index
    %get3A_0 = arith.constant 0 : index
    %get3A_1 = vector.load %arg1[%get3A, %get3A_0] : memref<1024x32xf32, #tpu.memory_space<vmem>>, vector<1024x32xf32>
    %get3A_2 = arith.constant 0 : index
    %get3A_3 = arith.constant 0 : index
    %get3A_4 = vector.load %arg2[%get3A_2, %get3A_3] : memref<32x8192xf32, #tpu.memory_space<vmem>>, vector<32x8192xf32>
    %dot_general3A = arith.constant dense<0.000000e+00> : vector<1024x8192xf32>
    %dot_general3A_5 = tpu.matmul %get3A_1, %get3A_4, %dot_general3A {dimension_numbers = #tpu.dot_dimension_numbers<[1], [0], [0], [1], [0, 0, 1, 1], [], []>, transpose_lhs_hint = false} : vector<1024x32xf32>, vector<32x8192xf32>, vector<1024x8192xf32> -> vector<1024x8192xf32>
    %mul3A = arith.mulf %get3A_1, %get3A_1 : vector<1024x32xf32>
    %reduce_sum3A = arith.constant dense<0.000000e+00> : vector<1024xf32>
    %reduce_sum3A_6 = vector.multi_reduction <add>, %mul3A, %reduce_sum3A [1] : vector<1024x32xf32> to vector<1024xf32>
    %broadcast_in_dim3A = vector.shape_cast %reduce_sum3A_6 : vector<1024xf32> to vector<1024x1xf32>
    %mul3A_7 = arith.mulf %get3A_4, %get3A_4 : vector<32x8192xf32>
    %reduce_sum3A_8 = arith.constant dense<0.000000e+00> : vector<8192xf32>
    %reduce_sum3A_9 = vector.multi_reduction <add>, %mul3A_7, %reduce_sum3A_8 [0] : vector<32x8192xf32> to vector<8192xf32>
    %broadcast_in_dim3A_10 = vector.shape_cast %reduce_sum3A_9 : vector<8192xf32> to vector<1x8192xf32>
    %mul3A_11 = arith.constant 2.500000e-01 : f32
    %mul3A_12 = vector.broadcast %mul3A_11 : f32 to vector<1x8192xf32>
    %mul3A_13 = arith.mulf %mul3A_12, %broadcast_in_dim3A_10 : vector<1x8192xf32>
    %add3A = vector.broadcast %broadcast_in_dim3A : vector<1024x1xf32> to vector<1024x8192xf32>
    %add3A_14 = vector.broadcast %mul3A_13 : vector<1x8192xf32> to vector<1024x8192xf32>
    %add3A_15 = arith.addf %add3A, %add3A_14 : vector<1024x8192xf32>
    %sub3A = arith.subf %add3A_15, %dot_general3A_5 : vector<1024x8192xf32>
    %argmin3A = tpu.reduce_index %sub3A {axis = 1 : i32, kind = #tpu.reduction_kind<arg_min>} : vector<1024x8192xf32> -> vector<1024xi32>
    %reshape3A = vector.shape_cast %argmin3A : vector<1024xi32> to vector<1x1x1024xi32>
    %swap3A = arith.constant 0 : index
    %swap3A_16 = arith.constant 0 : index
    %swap3A_17 = arith.constant 0 : index
    %swap3A_18 = vector.load %arg3[%swap3A, %swap3A_16, %swap3A_17] : memref<1x1x1024xi32, #tpu.memory_space<vmem>>, vector<1x1x1024xi32>
    tpu.vector_store %arg3[%swap3A, %swap3A_16, %swap3A_17], %reshape3A {strides = array<i32>} : memref<1x1x1024xi32, #tpu.memory_space<vmem>>, vector<1x1x1024xi32>,
    return
  }
  func.func @transform_0(%arg0: i32) -> (i32, i32) {
    %c0_i32 = arith.constant 0 : i32
    %c0_i32_0 = arith.constant 0 : i32
    return %arg0, %c0_i32 : i32, i32
  }
  func.func @transform_1(%arg0: i32) -> (i32, i32) {
    %c0_i32 = arith.constant 0 : i32
    %c0_i32_0 = arith.constant 0 : i32
    %c0_i32_1 = arith.constant 0 : i32
    return %c0_i32, %c0_i32_0 : i32, i32
  }
  func.func @transform_2(%arg0: i32) -> (i32, i32, i32) {
    %c0_i32 = arith.constant 0 : i32
    %c0_i32_0 = arith.constant 0 : i32
    %c0_i32_1 = arith.constant 0 : i32
    return %arg0, %c0_i32, %c0_i32_0 : i32, i32, i32
  }
}

module attributes {stable_mosaic.version = 14 : i64} {
  func.func @_stage_body(%arg0: i32, %arg1: memref<1024x32xf32, #tpu.memory_space<vmem>>, %arg2: memref<1024x32xf32, #tpu.memory_space<vmem>>, %arg3: memref<32x8192xf32, #tpu.memory_space<vmem>>, %arg4: memref<1x1x1024xi32, #tpu.memory_space<vmem>>, %arg5: memref<1024x32xf32, #tpu.memory_space<vmem>>, %arg6: memref<1x1xf32, #tpu.memory_space<smem>>) attributes {dimension_semantics = [#tpu.dimension_semantics<arbitrary>], iteration_bounds = array<i64: 16>, scalar_prefetch = 0 : i64, scratch_operands = 0 : i64, tpu.core_type = #tpu.core_type<tc>, window_params = [{transform_indices = @transform_0, window_bounds = array<i64: 1024, 32>}, {transform_indices = @transform_1, window_bounds = array<i64: 1024, 32>}, {pipeline_mode = #tpu.pipeline_mode<synchronous>, transform_indices = @transform_2, window_bounds = array<i64: 32, 8192>}, {transform_indices = @transform_3, window_bounds = array<i64: 1, 1, 1024>}, {transform_indices = @transform_4, window_bounds = array<i64: 1024, 32>}, {transform_indices = @transform_5, window_bounds = array<i64: 1, 1>}]} {
    %get3A = arith.constant 0 : index
    %get3A_0 = arith.constant 0 : index
    %get3A_1 = vector.load %arg1[%get3A, %get3A_0] : memref<1024x32xf32, #tpu.memory_space<vmem>>, vector<1024x32xf32>
    %get3A_2 = arith.constant 0 : index
    %get3A_3 = arith.constant 0 : index
    %get3A_4 = vector.load %arg2[%get3A_2, %get3A_3] : memref<1024x32xf32, #tpu.memory_space<vmem>>, vector<1024x32xf32>
    %sub3A = arith.subf %get3A_1, %get3A_4 : vector<1024x32xf32>
    %swap3A = arith.constant 0 : index
    %swap3A_5 = arith.constant 0 : index
    %swap3A_6 = vector.load %arg5[%swap3A, %swap3A_5] : memref<1024x32xf32, #tpu.memory_space<vmem>>, vector<1024x32xf32>
    tpu.vector_store %arg5[%swap3A, %swap3A_5], %sub3A {strides = array<i32>} : memref<1024x32xf32, #tpu.memory_space<vmem>>, vector<1024x32xf32>,
    %eq3A = arith.constant 0 : i32
    %eq3A_7 = arith.cmpi eq, %arg0, %eq3A : i32
    %convert_element_type3A = arith.extui %eq3A_7 : i1 to i32
    %cond3A = arith.constant 0 : i32
    %cond3A_8 = arith.cmpi ne, %convert_element_type3A, %cond3A : i32
    scf.if %cond3A_8 {
      %swap3A_41 = arith.constant 0.000000e+00 : f32
      %swap3A_42 = arith.constant 0 : index
      %swap3A_43 = arith.constant 0 : index
      %swap3A_44 = memref.load %arg6[%swap3A_42, %swap3A_43] : memref<1x1xf32, #tpu.memory_space<smem>>
      memref.store %swap3A_41, %arg6[%swap3A_42, %swap3A_43] : memref<1x1xf32, #tpu.memory_space<smem>>
    } else {
    }
    %get3A_9 = arith.constant 0 : index
    %get3A_10 = arith.constant 0 : index
    %get3A_11 = memref.load %arg6[%get3A_9, %get3A_10] : memref<1x1xf32, #tpu.memory_space<smem>>
    %mul3A = arith.mulf %sub3A, %sub3A : vector<1024x32xf32>
    %reduce_sum3A = vector.shape_cast %mul3A : vector<1024x32xf32> to vector<1x1024x32xf32>
    %reduce_sum3A_12 = arith.constant dense<0.000000e+00> : vector<1xf32>
    %reduce_sum3A_13 = vector.multi_reduction <add>, %reduce_sum3A, %reduce_sum3A_12 [1, 2] : vector<1x1024x32xf32> to vector<1xf32>
    %reduce_sum3A_14 = vector.shape_cast %reduce_sum3A_13 : vector<1xf32> to vector<1x1x1xf32>
    %reduce_sum3A_15 = vector.extract %reduce_sum3A_14[0, 0, 0] : f32 from vector<1x1x1xf32>
    %add3A = arith.addf %get3A_11, %reduce_sum3A_15 : f32
    %swap3A_16 = arith.constant 0 : index
    %swap3A_17 = arith.constant 0 : index
    %swap3A_18 = memref.load %arg6[%swap3A_16, %swap3A_17] : memref<1x1xf32, #tpu.memory_space<smem>>
    memref.store %add3A, %arg6[%swap3A_16, %swap3A_17] : memref<1x1xf32, #tpu.memory_space<smem>>
    %get3A_19 = arith.constant 0 : index
    %get3A_20 = arith.constant 0 : index
    %get3A_21 = vector.load %arg3[%get3A_19, %get3A_20] : memref<32x8192xf32, #tpu.memory_space<vmem>>, vector<32x8192xf32>
    %dot_general3A = arith.constant dense<0.000000e+00> : vector<1024x8192xf32>
    %dot_general3A_22 = tpu.matmul %sub3A, %get3A_21, %dot_general3A {dimension_numbers = #tpu.dot_dimension_numbers<[1], [0], [0], [1], [0, 0, 1, 1], [], []>, transpose_lhs_hint = false} : vector<1024x32xf32>, vector<32x8192xf32>, vector<1024x8192xf32> -> vector<1024x8192xf32>
    %mul3A_23 = arith.mulf %sub3A, %sub3A : vector<1024x32xf32>
    %reduce_sum3A_24 = arith.constant dense<0.000000e+00> : vector<1024xf32>
    %reduce_sum3A_25 = vector.multi_reduction <add>, %mul3A_23, %reduce_sum3A_24 [1] : vector<1024x32xf32> to vector<1024xf32>
    %broadcast_in_dim3A = vector.shape_cast %reduce_sum3A_25 : vector<1024xf32> to vector<1024x1xf32>
    %mul3A_26 = arith.mulf %get3A_21, %get3A_21 : vector<32x8192xf32>
    %reduce_sum3A_27 = arith.constant dense<0.000000e+00> : vector<8192xf32>
    %reduce_sum3A_28 = vector.multi_reduction <add>, %mul3A_26, %reduce_sum3A_27 [0] : vector<32x8192xf32> to vector<8192xf32>
    %broadcast_in_dim3A_29 = vector.shape_cast %reduce_sum3A_28 : vector<8192xf32> to vector<1x8192xf32>
    %mul3A_30 = arith.constant 2.500000e-01 : f32
    %mul3A_31 = vector.broadcast %mul3A_30 : f32 to vector<1x8192xf32>
    %mul3A_32 = arith.mulf %mul3A_31, %broadcast_in_dim3A_29 : vector<1x8192xf32>
    %add3A_33 = vector.broadcast %broadcast_in_dim3A : vector<1024x1xf32> to vector<1024x8192xf32>
    %add3A_34 = vector.broadcast %mul3A_32 : vector<1x8192xf32> to vector<1024x8192xf32>
    %add3A_35 = arith.addf %add3A_33, %add3A_34 : vector<1024x8192xf32>
    %sub3A_36 = arith.subf %add3A_35, %dot_general3A_22 : vector<1024x8192xf32>
    %argmin3A = tpu.reduce_index %sub3A_36 {axis = 1 : i32, kind = #tpu.reduction_kind<arg_min>} : vector<1024x8192xf32> -> vector<1024xi32>
    %reshape3A = vector.shape_cast %argmin3A : vector<1024xi32> to vector<1x1x1024xi32>
    %swap3A_37 = arith.constant 0 : index
    %swap3A_38 = arith.constant 0 : index
    %swap3A_39 = arith.constant 0 : index
    %swap3A_40 = vector.load %arg4[%swap3A_37, %swap3A_38, %swap3A_39] : memref<1x1x1024xi32, #tpu.memory_space<vmem>>, vector<1x1x1024xi32>
    tpu.vector_store %arg4[%swap3A_37, %swap3A_38, %swap3A_39], %reshape3A {strides = array<i32>} : memref<1x1x1024xi32, #tpu.memory_space<vmem>>, vector<1x1x1024xi32>,
    return
  }
  func.func @transform_0(%arg0: i32) -> (i32, i32) {
    %c0_i32 = arith.constant 0 : i32
    %c0_i32_0 = arith.constant 0 : i32
    return %arg0, %c0_i32 : i32, i32
  }
  func.func @transform_1(%arg0: i32) -> (i32, i32) {
    %c0_i32 = arith.constant 0 : i32
    %c0_i32_0 = arith.constant 0 : i32
    return %arg0, %c0_i32 : i32, i32
  }
  func.func @transform_2(%arg0: i32) -> (i32, i32) {
    %c0_i32 = arith.constant 0 : i32
    %c0_i32_0 = arith.constant 0 : i32
    %c0_i32_1 = arith.constant 0 : i32
    return %c0_i32, %c0_i32_0 : i32, i32
  }
  func.func @transform_3(%arg0: i32) -> (i32, i32, i32) {
    %c0_i32 = arith.constant 0 : i32
    %c0_i32_0 = arith.constant 0 : i32
    %c0_i32_1 = arith.constant 0 : i32
    return %arg0, %c0_i32, %c0_i32_0 : i32, i32, i32
  }
  func.func @transform_4(%arg0: i32) -> (i32, i32) {
    %c0_i32 = arith.constant 0 : i32
    %c0_i32_0 = arith.constant 0 : i32
    return %arg0, %c0_i32 : i32, i32
  }
  func.func @transform_5(%arg0: i32) -> (i32, i32) {
    %c0_i32 = arith.constant 0 : i32
    %c0_i32_0 = arith.constant 0 : i32
    %c0_i32_1 = arith.constant 0 : i32
    return %c0_i32, %c0_i32_0 : i32, i32
  }
}

module attributes {stable_mosaic.version = 14 : i64} {
  func.func @_tail_body(%arg0: i32, %arg1: memref<1024x32xf32, #tpu.memory_space<vmem>>, %arg2: memref<1024x32xf32, #tpu.memory_space<vmem>>, %arg3: memref<1024x32xf32, #tpu.memory_space<vmem>>, %arg4: memref<1024x32xf32, #tpu.memory_space<vmem>>, %arg5: memref<1x1xf32, #tpu.memory_space<smem>>) attributes {dimension_semantics = [#tpu.dimension_semantics<arbitrary>], iteration_bounds = array<i64: 16>, scalar_prefetch = 0 : i64, scratch_operands = 0 : i64, tpu.core_type = #tpu.core_type<tc>, window_params = [{transform_indices = @transform_0, window_bounds = array<i64: 1024, 32>}, {transform_indices = @transform_1, window_bounds = array<i64: 1024, 32>}, {transform_indices = @transform_2, window_bounds = array<i64: 1024, 32>}, {transform_indices = @transform_3, window_bounds = array<i64: 1024, 32>}, {transform_indices = @transform_4, window_bounds = array<i64: 1, 1>}]} {
    %get3A = arith.constant 0 : index
    %get3A_0 = arith.constant 0 : index
    %get3A_1 = vector.load %arg3[%get3A, %get3A_0] : memref<1024x32xf32, #tpu.memory_space<vmem>>, vector<1024x32xf32>
    %get3A_2 = arith.constant 0 : index
    %get3A_3 = arith.constant 0 : index
    %get3A_4 = vector.load %arg2[%get3A_2, %get3A_3] : memref<1024x32xf32, #tpu.memory_space<vmem>>, vector<1024x32xf32>
    %get3A_5 = arith.constant 0 : index
    %get3A_6 = arith.constant 0 : index
    %get3A_7 = vector.load %arg1[%get3A_5, %get3A_6] : memref<1024x32xf32, #tpu.memory_space<vmem>>, vector<1024x32xf32>
    %sub3A = arith.subf %get3A_7, %get3A_4 : vector<1024x32xf32>
    %add3A = arith.addf %sub3A, %get3A_1 : vector<1024x32xf32>
    %swap3A = arith.constant 0 : index
    %swap3A_8 = arith.constant 0 : index
    %swap3A_9 = vector.load %arg4[%swap3A, %swap3A_8] : memref<1024x32xf32, #tpu.memory_space<vmem>>, vector<1024x32xf32>
    tpu.vector_store %arg4[%swap3A, %swap3A_8], %add3A {strides = array<i32>} : memref<1024x32xf32, #tpu.memory_space<vmem>>, vector<1024x32xf32>,
    %sub3A_10 = arith.subf %get3A_4, %get3A_1 : vector<1024x32xf32>
    %eq3A = arith.constant 0 : i32
    %eq3A_11 = arith.cmpi eq, %arg0, %eq3A : i32
    %convert_element_type3A = arith.extui %eq3A_11 : i1 to i32
    %cond3A = arith.constant 0 : i32
    %cond3A_12 = arith.cmpi ne, %convert_element_type3A, %cond3A : i32
    scf.if %cond3A_12 {
      %swap3A_24 = arith.constant 0.000000e+00 : f32
      %swap3A_25 = arith.constant 0 : index
      %swap3A_26 = arith.constant 0 : index
      %swap3A_27 = memref.load %arg5[%swap3A_25, %swap3A_26] : memref<1x1xf32, #tpu.memory_space<smem>>
      memref.store %swap3A_24, %arg5[%swap3A_25, %swap3A_26] : memref<1x1xf32, #tpu.memory_space<smem>>
    } else {
    }
    %get3A_13 = arith.constant 0 : index
    %get3A_14 = arith.constant 0 : index
    %get3A_15 = memref.load %arg5[%get3A_13, %get3A_14] : memref<1x1xf32, #tpu.memory_space<smem>>
    %mul3A = arith.mulf %sub3A_10, %sub3A_10 : vector<1024x32xf32>
    %reduce_sum3A = vector.shape_cast %mul3A : vector<1024x32xf32> to vector<1x1024x32xf32>
    %reduce_sum3A_16 = arith.constant dense<0.000000e+00> : vector<1xf32>
    %reduce_sum3A_17 = vector.multi_reduction <add>, %reduce_sum3A, %reduce_sum3A_16 [1, 2] : vector<1x1024x32xf32> to vector<1xf32>
    %reduce_sum3A_18 = vector.shape_cast %reduce_sum3A_17 : vector<1xf32> to vector<1x1x1xf32>
    %reduce_sum3A_19 = vector.extract %reduce_sum3A_18[0, 0, 0] : f32 from vector<1x1x1xf32>
    %add3A_20 = arith.addf %get3A_15, %reduce_sum3A_19 : f32
    %swap3A_21 = arith.constant 0 : index
    %swap3A_22 = arith.constant 0 : index
    %swap3A_23 = memref.load %arg5[%swap3A_21, %swap3A_22] : memref<1x1xf32, #tpu.memory_space<smem>>
    memref.store %add3A_20, %arg5[%swap3A_21, %swap3A_22] : memref<1x1xf32, #tpu.memory_space<smem>>
    return
  }
  func.func @transform_0(%arg0: i32) -> (i32, i32) {
    %c0_i32 = arith.constant 0 : i32
    %c0_i32_0 = arith.constant 0 : i32
    return %arg0, %c0_i32 : i32, i32
  }
  func.func @transform_1(%arg0: i32) -> (i32, i32) {
    %c0_i32 = arith.constant 0 : i32
    %c0_i32_0 = arith.constant 0 : i32
    return %arg0, %c0_i32 : i32, i32
  }
  func.func @transform_2(%arg0: i32) -> (i32, i32) {
    %c0_i32 = arith.constant 0 : i32
    %c0_i32_0 = arith.constant 0 : i32
    return %arg0, %c0_i32 : i32, i32
  }
  func.func @transform_3(%arg0: i32) -> (i32, i32) {
    %c0_i32 = arith.constant 0 : i32
    %c0_i32_0 = arith.constant 0 : i32
    return %arg0, %c0_i32 : i32, i32
  }
  func.func @transform_4(%arg0: i32) -> (i32, i32) {
    %c0_i32 = arith.constant 0 : i32
    %c0_i32_0 = arith.constant 0 : i32
    %c0_i32_1 = arith.constant 0 : i32
    return %c0_i32, %c0_i32_0 : i32, i32
  }
}

module attributes {stable_mosaic.version = 14 : i64} {
  func.func @_final_body(%arg0: memref<4x32x8192xf32, #tpu.memory_space<vmem>>, %arg1: memref<1x1xf32, #tpu.memory_space<smem>>, %arg2: memref<1x1xf32, #tpu.memory_space<smem>>, %arg3: memref<1x1xf32, #tpu.memory_space<smem>>, %arg4: memref<1x1xf32, #tpu.memory_space<smem>>, %arg5: memref<1x1xf32, #tpu.memory_space<smem>>, %arg6: memref<1x1xf32, #tpu.memory_space<smem>>) attributes {dimension_semantics = [], scalar_prefetch = 0 : i64, scratch_operands = 0 : i64, tpu.core_type = #tpu.core_type<tc>} {
    %get3A = arith.constant 0 : index
    %get3A_0 = arith.constant 0 : index
    %get3A_1 = arith.constant 0 : index
    %get3A_2 = vector.load %arg0[%get3A, %get3A_0, %get3A_1] : memref<4x32x8192xf32, #tpu.memory_space<vmem>>, vector<1x32x8192xf32>
    %get3A_3 = vector.shape_cast %get3A_2 : vector<1x32x8192xf32> to vector<32x8192xf32>
    %reduce_sum3A = arith.constant dense<0.000000e+00> : vector<8192xf32>
    %reduce_sum3A_4 = vector.multi_reduction <add>, %get3A_3, %reduce_sum3A [0] : vector<32x8192xf32> to vector<8192xf32>
    %gt3A = arith.constant 0.000000e+00 : f32
    %gt3A_5 = vector.broadcast %gt3A : f32 to vector<8192xf32>
    %gt3A_6 = arith.cmpf ogt, %reduce_sum3A_4, %gt3A_5 : vector<8192xf32>
    %convert_element_type3A = arith.extui %gt3A_6 : vector<8192xi1> to vector<8192xi32>
    %convert_element_type3A_7 = arith.sitofp %convert_element_type3A : vector<8192xi32> to vector<8192xf32>
    %reduce_sum3A_8 = vector.shape_cast %convert_element_type3A_7 : vector<8192xf32> to vector<1x8192xf32>
    %reduce_sum3A_9 = arith.constant dense<0.000000e+00> : vector<1xf32>
    %reduce_sum3A_10 = vector.multi_reduction <add>, %reduce_sum3A_8, %reduce_sum3A_9 [1] : vector<1x8192xf32> to vector<1xf32>
    %reduce_sum3A_11 = vector.shape_cast %reduce_sum3A_10 : vector<1xf32> to vector<1x1xf32>
    %reduce_sum3A_12 = vector.extract %reduce_sum3A_11[0, 0] : f32 from vector<1x1xf32>
    %add3A = arith.constant 0.000000e+00 : f32
    %add3A_13 = arith.addf %add3A, %reduce_sum3A_12 : f32
    %get3A_14 = arith.constant 1 : index
    %get3A_15 = arith.constant 0 : index
    %get3A_16 = arith.constant 0 : index
    %get3A_17 = vector.load %arg0[%get3A_14, %get3A_15, %get3A_16] : memref<4x32x8192xf32, #tpu.memory_space<vmem>>, vector<1x32x8192xf32>
    %get3A_18 = vector.shape_cast %get3A_17 : vector<1x32x8192xf32> to vector<32x8192xf32>
    %reduce_sum3A_19 = arith.constant dense<0.000000e+00> : vector<8192xf32>
    %reduce_sum3A_20 = vector.multi_reduction <add>, %get3A_18, %reduce_sum3A_19 [0] : vector<32x8192xf32> to vector<8192xf32>
    %gt3A_21 = arith.constant 0.000000e+00 : f32
    %gt3A_22 = vector.broadcast %gt3A_21 : f32 to vector<8192xf32>
    %gt3A_23 = arith.cmpf ogt, %reduce_sum3A_20, %gt3A_22 : vector<8192xf32>
    %convert_element_type3A_24 = arith.extui %gt3A_23 : vector<8192xi1> to vector<8192xi32>
    %convert_element_type3A_25 = arith.sitofp %convert_element_type3A_24 : vector<8192xi32> to vector<8192xf32>
    %reduce_sum3A_26 = vector.shape_cast %convert_element_type3A_25 : vector<8192xf32> to vector<1x8192xf32>
    %reduce_sum3A_27 = arith.constant dense<0.000000e+00> : vector<1xf32>
    %reduce_sum3A_28 = vector.multi_reduction <add>, %reduce_sum3A_26, %reduce_sum3A_27 [1] : vector<1x8192xf32> to vector<1xf32>
    %reduce_sum3A_29 = vector.shape_cast %reduce_sum3A_28 : vector<1xf32> to vector<1x1xf32>
    %reduce_sum3A_30 = vector.extract %reduce_sum3A_29[0, 0] : f32 from vector<1x1xf32>
    %add3A_31 = arith.addf %add3A_13, %reduce_sum3A_30 : f32
    %get3A_32 = arith.constant 2 : index
    %get3A_33 = arith.constant 0 : index
    %get3A_34 = arith.constant 0 : index
    %get3A_35 = vector.load %arg0[%get3A_32, %get3A_33, %get3A_34] : memref<4x32x8192xf32, #tpu.memory_space<vmem>>, vector<1x32x8192xf32>
    %get3A_36 = vector.shape_cast %get3A_35 : vector<1x32x8192xf32> to vector<32x8192xf32>
    %reduce_sum3A_37 = arith.constant dense<0.000000e+00> : vector<8192xf32>
    %reduce_sum3A_38 = vector.multi_reduction <add>, %get3A_36, %reduce_sum3A_37 [0] : vector<32x8192xf32> to vector<8192xf32>
    %gt3A_39 = arith.constant 0.000000e+00 : f32
    %gt3A_40 = vector.broadcast %gt3A_39 : f32 to vector<8192xf32>
    %gt3A_41 = arith.cmpf ogt, %reduce_sum3A_38, %gt3A_40 : vector<8192xf32>
    %convert_element_type3A_42 = arith.extui %gt3A_41 : vector<8192xi1> to vector<8192xi32>
    %convert_element_type3A_43 = arith.sitofp %convert_element_type3A_42 : vector<8192xi32> to vector<8192xf32>
    %reduce_sum3A_44 = vector.shape_cast %convert_element_type3A_43 : vector<8192xf32> to vector<1x8192xf32>
    %reduce_sum3A_45 = arith.constant dense<0.000000e+00> : vector<1xf32>
    %reduce_sum3A_46 = vector.multi_reduction <add>, %reduce_sum3A_44, %reduce_sum3A_45 [1] : vector<1x8192xf32> to vector<1xf32>
    %reduce_sum3A_47 = vector.shape_cast %reduce_sum3A_46 : vector<1xf32> to vector<1x1xf32>
    %reduce_sum3A_48 = vector.extract %reduce_sum3A_47[0, 0] : f32 from vector<1x1xf32>
    %add3A_49 = arith.addf %add3A_31, %reduce_sum3A_48 : f32
    %get3A_50 = arith.constant 3 : index
    %get3A_51 = arith.constant 0 : index
    %get3A_52 = arith.constant 0 : index
    %get3A_53 = vector.load %arg0[%get3A_50, %get3A_51, %get3A_52] : memref<4x32x8192xf32, #tpu.memory_space<vmem>>, vector<1x32x8192xf32>
    %get3A_54 = vector.shape_cast %get3A_53 : vector<1x32x8192xf32> to vector<32x8192xf32>
    %reduce_sum3A_55 = arith.constant dense<0.000000e+00> : vector<8192xf32>
    %reduce_sum3A_56 = vector.multi_reduction <add>, %get3A_54, %reduce_sum3A_55 [0] : vector<32x8192xf32> to vector<8192xf32>
    %gt3A_57 = arith.constant 0.000000e+00 : f32
    %gt3A_58 = vector.broadcast %gt3A_57 : f32 to vector<8192xf32>
    %gt3A_59 = arith.cmpf ogt, %reduce_sum3A_56, %gt3A_58 : vector<8192xf32>
    %convert_element_type3A_60 = arith.extui %gt3A_59 : vector<8192xi1> to vector<8192xi32>
    %convert_element_type3A_61 = arith.sitofp %convert_element_type3A_60 : vector<8192xi32> to vector<8192xf32>
    %reduce_sum3A_62 = vector.shape_cast %convert_element_type3A_61 : vector<8192xf32> to vector<1x8192xf32>
    %reduce_sum3A_63 = arith.constant dense<0.000000e+00> : vector<1xf32>
    %reduce_sum3A_64 = vector.multi_reduction <add>, %reduce_sum3A_62, %reduce_sum3A_63 [1] : vector<1x8192xf32> to vector<1xf32>
    %reduce_sum3A_65 = vector.shape_cast %reduce_sum3A_64 : vector<1xf32> to vector<1x1xf32>
    %reduce_sum3A_66 = vector.extract %reduce_sum3A_65[0, 0] : f32 from vector<1x1xf32>
    %add3A_67 = arith.addf %add3A_49, %reduce_sum3A_66 : f32
    %div3A = arith.constant 3.276800e+04 : f32
    %div3A_68 = arith.divf %add3A_67, %div3A : f32
    %swap3A = arith.constant 0 : index
    %swap3A_69 = arith.constant 0 : index
    %swap3A_70 = memref.load %arg6[%swap3A, %swap3A_69] : memref<1x1xf32, #tpu.memory_space<smem>>
    memref.store %div3A_68, %arg6[%swap3A, %swap3A_69] : memref<1x1xf32, #tpu.memory_space<smem>>
    %get3A_71 = arith.constant 0 : index
    %get3A_72 = arith.constant 0 : index
    %get3A_73 = memref.load %arg1[%get3A_71, %get3A_72] : memref<1x1xf32, #tpu.memory_space<smem>>
    %get3A_74 = arith.constant 0 : index
    %get3A_75 = arith.constant 0 : index
    %get3A_76 = memref.load %arg2[%get3A_74, %get3A_75] : memref<1x1xf32, #tpu.memory_space<smem>>
    %add3A_77 = arith.addf %get3A_73, %get3A_76 : f32
    %get3A_78 = arith.constant 0 : index
    %get3A_79 = arith.constant 0 : index
    %get3A_80 = memref.load %arg3[%get3A_78, %get3A_79] : memref<1x1xf32, #tpu.memory_space<smem>>
    %add3A_81 = arith.addf %add3A_77, %get3A_80 : f32
    %get3A_82 = arith.constant 0 : index
    %get3A_83 = arith.constant 0 : index
    %get3A_84 = memref.load %arg4[%get3A_82, %get3A_83] : memref<1x1xf32, #tpu.memory_space<smem>>
    %add3A_85 = arith.addf %add3A_81, %get3A_84 : f32
    %mul3A = arith.constant 2.000000e+00 : f32
    %mul3A_86 = arith.mulf %add3A_85, %mul3A : f32
    %div3A_87 = arith.constant 5.242880e+05 : f32
    %div3A_88 = arith.divf %mul3A_86, %div3A_87 : f32
    %div3A_89 = arith.constant 4.000000e+00 : f32
    %div3A_90 = arith.divf %div3A_88, %div3A_89 : f32
    %swap3A_91 = arith.constant 0 : index
    %swap3A_92 = arith.constant 0 : index
    %swap3A_93 = memref.load %arg5[%swap3A_91, %swap3A_92] : memref<1x1xf32, #tpu.memory_space<smem>>
    memref.store %div3A_90, %arg5[%swap3A_91, %swap3A_92] : memref<1x1xf32, #tpu.memory_space<smem>>
    return
  }
}

</mosaic_0001>

<sc_bundles>
// kernel: kernel.12.cloned.1.call-start
scs
__scs_entry_jumppad:
0x0: {  	(pc) =	sbr.rel $0x88, $3  }
0x1: {  	(tag) =	ssettag $0x0;
	lr =	simm.s32 $0x1  }
0x2: {  	[smem:$0x3F9F] =	sst lr;
	_ =	strace $0xD0000000  }
0x3: {  	_ = 	snop  }
0x4: {  	_ = 	snop  }
0x5: {  	_ = 	snop  }
0x6: {  	_ = 	snop  }
0x7: {  	_ = 	snop  }
__scs_overlays_trampoline_lowered:
0x8: {  	[smem:$0x3FAE] =	sst s0  }
0x9: {  	[smem:$0x3FAF] =	sst s1  }
0xa: {  	[smem:$0x3FB0] =	sst s2  }
0xb: {  	[smem:$0x3FB1] =	sst s3  }
0xc: {  	[smem:$0x3FB2] =	sst s4  }
0xd: {  	[smem:$0x3FB3] =	sst s5  }
0xe: {  	[smem:$0x3FB4] =	sst s6  }
0xf: {  	[smem:$0x3FB5] =	sst s7  }
0x10: {  	[smem:$0x3FB6] =	sst s8  }
0x11: {  	[smem:$0x3FB7] =	sst s9;
	s0 =	simm.s32 @!p0 $0x0  }
0x12: {  	s1 =	sld [smem:$0x3F9D];
	s0 =	simm.s32 @p0 $0x1  }
0x13: {  	[smem:$0x3FB8] =	sst s0;
	s0 =	simm.s32 @!p1 $0x0  }
0x14: {  	s2 =	sld [smem:$0x3F9C];
	s0 =	simm.s32 @p1 $0x1  }
0x15: {  	[smem:$0x3FB9] =	sst s0;
	s0 =	simm.s32 @!p2 $0x0  }
0x16: {  	s3 =	sld [smem:$0x3FDB];
	s0 =	simm.s32 @p2 $0x1  }
0x17: {  	s4 =	simm.s32 $0x1BF5;
	[smem:$0x3FBB] =	sst s0  }
0x18: {  	s0 =	sld [smem:$0x3F9E];
	_ =	swait.ge [sflag:s4], $0x0  }
0x19: {  	s7 =	sld [smem:$0x3F9F]  }
0x1a: {  	s8 =	sadd.s32 $0xFFFFE003, lr  }
0x1b: {  	s9 =	sadd.s32 $0xFFFFFEF7, lr;
	s5 =	simm.s32 $0xFFFFFFFF;
	p2 =	slt.u32 s8, $0xFFFFF086  }
0x1c: {  	p1 =	slt.u32 s9, $0xF7A;
	s5 =	simm.s32 @!p2 $0x0  }
0x1d: {  	s5 =	simm.s32 @p1 $0x1;
	p0 =	seq.s32 s7, s2  }
0x1e: {  	s7 =	smul.u32 @!p0 $0xF7A, s2;
	p2 =	seq.s32 @!p0 s5, $0x0  }
0x1f: {  	s9 =	smul.u32 $0xF7A, s1;
	s8 =	simm.s32 @!p0 $0x1BF5;
	p2 =	por !p2, p0  }
0x20: {  	[sflag:s8] =	ssyncset.s32 @!p0 $0xFFFFF086;
	s6 =	sadd.s32 @!p0 s3, s7;
	s7 =	simm.s32 @!p0 $0x108  }
0x21: {  	s3 =	sadd.s32 s3, s9;
	s6 =	sadd.s32 @!p0 $0x88, s6;
	s7 =	simm.s32 @p2 $0x1082  }
0x22: {  	[simem:s7], [sflag:s8] =	dma.local @!p0 [hbm:s6], $0xF7A  }
0x23: {  	s9 =	sor.u32 $0xD0000000, s2;
	s6 =	simm.s32 $0x108;
	_ =	swait.ge @!p0 [sflag:s8], $0x0  }
0x24: {  	s3 =	sadd.s32 $0x88, s3;
	s6 =	simm.s32 @!p1 $0x1082;
	[sflag:s4] =	ssyncset.s32 $0xFFFFF086  }
0x25: {  	[simem:s6], [sflag:s4] =	dma.local [hbm:s3], $0xF7A  }
0x26: {  	[smem:$0x3F9F] =	sst s1;
	(tag) =	ssettag s2;
	_ =	strace s9  }
0x27: {  	s1 =	sld [smem:$0x3FAF]  }
0x28: {  	s2 =	sld [smem:$0x3FB0]  }
0x29: {  	s4 =	sld [smem:$0x3FB2]  }
0x2a: {  	p0 =	seq.s32 s5, $0x0;
	s5 =	sld [smem:$0x3FB3]  }
0x2b: {  	s6 =	sld [smem:$0x3FB4]  }
0x2c: {  	s7 =	sld [smem:$0x3FB5]  }
0x2d: {  	s3 =	simm.s32 $0x108;
	s8 =	sld [smem:$0x3FB6]  }
0x2e: {  	s3 =	simm.s32 @!p0 $0x1082;
	s9 =	sld [smem:$0x3FB7]  }
0x2f: {  	lr =	sadd.s32 s0, s3;
	s0 =	sld [smem:$0x3FAE]  }
0x30: {  	s3 =	sld [smem:$0x3FB1]  }
0x31: {  	[smem:$0x3FBA] =	sst s10  }
0x32: {  	s10 =	sld [smem:$0x3FB8];
	_ =	sdelay $0x3  }
0x33: {  	p0 =	seq.s32 s10, $0x1;
	s10 =	sld [smem:$0x3FBA];
	_ =	sdelay $0x3  }
0x34: {  	[smem:$0x3FBA] =	sst s10  }
0x35: {  	s10 =	sld [smem:$0x3FB9];
	_ =	sdelay $0x3  }
0x36: {  	p1 =	seq.s32 s10, $0x1;
	s10 =	sld [smem:$0x3FBA];
	_ =	sdelay $0x3  }
0x37: {  	[smem:$0x3FBA] =	sst s10  }
0x38: {  	s10 =	sld [smem:$0x3FBB]  }
0x39: {  	_ = 	snop;
	(pc) =	sbr.ind lr, $3  }
0x3a: {  	_ = 	snop  }
0x3b: {  	_ = 	snop  }
0x3c: {  	p2 =	seq.s32 s10, $0x1;
	s10 =	sld [smem:$0x3FBA]  }
0x3d: {  	_ =	shalt  }
0x3e: {  	_ =	shalt  }
0x3f: {  	_ =	shalt  }
0x40: {  	_ =	shalt  }
0x41: {  	_ =	shalt  }
0x42: {  	_ =	shalt  }
0x43: {  	_ =	shalt  }
0x44: {  	_ =	shalt  }
0x45: {  	_ =	shalt  }
0x46: {  	_ =	shalt  }
0x47: {  	_ =	shalt  }
0x48: {  	_ =	shalt  }
0x49: {  	_ =	shalt  }
0x4a: {  	_ =	shalt  }
0x4b: {  	_ =	shalt  }
0x4c: {  	_ =	shalt  }
0x4d: {  	_ =	shalt  }
0x4e: {  	_ =	shalt  }
0x4f: {  	_ =	shalt  }
0x50: {  	_ =	shalt  }
0x51: {  	_ =	shalt  }
0x52: {  	_ =	shalt  }
0x53: {  	_ =	shalt  }
0x54: {  	_ =	shalt  }
0x55: {  	_ =	shalt  }
0x56: {  	_ =	shalt  }
0x57: {  	_ =	shalt  }
0x58: {  	_ =	shalt  }
0x59: {  	_ =	shalt  }
0x5a: {  	_ =	shalt  }
0x5b: {  	_ =	shalt  }
0x5c: {  	_ =	shalt  }
0x5d: {  	_ =	shalt  }
0x5e: {  	_ =	shalt  }
0x5f: {  	_ =	shalt  }
0x60: {  	_ =	shalt  }
0x61: {  	_ =	shalt  }
0x62: {  	_ =	shalt  }
0x63: {  	_ =	shalt  }
0x64: {  	_ =	shalt  }
0x65: {  	_ =	shalt  }
0x66: {  	_ =	shalt  }
0x67: {  	_ =	shalt  }
0x68: {  	_ =	shalt  }
0x69: {  	_ =	shalt  }
0x6a: {  	_ =	shalt  }
0x6b: {  	_ =	shalt  }
0x6c: {  	_ =	shalt  }
0x6d: {  	_ =	shalt  }
0x6e: {  	_ =	shalt  }
0x6f: {  	_ =	shalt  }
0x70: {  	_ =	shalt  }
0x71: {  	_ =	shalt  }
0x72: {  	_ =	shalt  }
0x73: {  	_ =	shalt  }
0x74: {  	_ =	shalt  }
0x75: {  	_ =	shalt  }
0x76: {  	_ =	shalt  }
0x77: {  	_ =	shalt  }
0x78: {  	_ =	shalt  }
0x79: {  	_ =	shalt  }
0x7a: {  	_ =	shalt  }
0x7b: {  	_ =	shalt  }
0x7c: {  	_ =	shalt  }
0x7d: {  	_ =	shalt  }
0x7e: {  	_ =	shalt  }
0x7f: {  	_ =	shalt  }
0x80: {  	_ =	shalt  }
0x81: {  	_ =	shalt  }
0x82: {  	_ =	shalt  }
0x83: {  	_ =	shalt  }
0x84: {  	_ =	shalt  }
0x85: {  	_ =	shalt  }
0x86: {  	_ =	shalt  }
0x87: {  	_ =	shalt  }
.Lfunc_end0:
.L_simem_size_0:
called_computation_lowered:
.L_overlay_start_0:
0x88: {  	s2 =	sld [smem:$0x3FD9]  }
0x89: {  	s3 =	sld [smem:$0x3FFE];
	_ =	sdelay $0x1  }
0x8a: {  	s1 =	srdreg.scid  }
0x8b: {  	s0 =	sand.u32 $0x1, s1  }
0x8c: {  	s14 =	sshll.u32 s0, $0xA;
	s2 =	sadd.s32 s3, s2  }
0x8d: {  	s2 =	sadd.s32 s2, s14  }
0x8e: {  	[smem:$0x3FC6] =	sst s2  }
0x8f: {  	_ = 	snop  }
0x90: {  	s2 =	sld [smem:$0x3FD0];
	_ =	sdelay $0x2  }
0x91: {  	s15 =	simm.s32 $0xA;
	s4 =	simm.s32 $0x10  }
0x92: {  	[smem:s4], [sflag:s15] =	dma.local [hbm:s2], $0x1  }
0x93: {  	_ =	swait.eq [sflag:s15], $0x1  }
0x94: {  	[sflag:s15] =	ssyncset.done $0x0  }
0x95: {  	s16 =	sld [smem:$0x10];
	[sflag:s15] =	ssyncadd.s32 $0xFFFFFFFF  }
0x96: {  	s17 =	sld [smem:$0x11];
	(tm) =	ssettm $0x1  }
0x97: {  	s18 =	sld [smem:$0x3FFB];
	_ =	sdelay $0x3  }
0x98: {  	_ =	strace s18  }
0x99: {  	s4 =	sld [smem:$0x3FFC];
	_ =	sdelay $0x3  }
0x9a: {  	_ =	strace s4  }
0x9b: {  	s4 =	sld [smem:$0x3FFD];
	_ =	sdelay $0x3  }
0x9c: {  	_ =	strace s4  }
0x9d: {  	_ =	strace $0x8FFFFFFF  }
0x9e: {  	s19 =	sld [smem:$0x3FDB];
	_ =	sdelay $0x1  }
0x9f: {  	s5 =	simm.s32 $_scs_section_size  }
0xa0: {  	s6 =	simm.s32 $_size__tile_overlayer_lowered;
	s7 =	simm.s32 $_tile_overlayer_lowered  }
0xa1: {  	s22 =	simm.s32 $0x1BFF;
	s21 =	sshll.u32 s7, $0x1;
	s4 =	sadd.s32 s5, s19  }
0xa2: {  	s8 =	simm.s32 $0x0;
	s20 =	sshll.u32 s6, $0x1;
	s6 =	sadd.s32 s21, s4  }
0xa3: {  	[timem:s8], [sflag:s22] =	dma.local [hbm:s6], s20  }
0xa4: {  	_ =	swait.ge [sflag:s22], s20  }
0xa5: {  	s5 =	ssub.s32 $0x0, s20;
	[sflag:s22] =	ssyncset.done $0x0  }
0xa6: {  	[sflag:s22] =	ssyncadd.s32 s5;
	_ =	sdelay $0x1  }
0xa7: {  	s23 =	simm.s32 $0x1B8B  }
0xa8: {  	_ =	swait.ge [sflag:s23], $0x1  }
0xa9: {  	[sflag:s23] =	ssyncset.done $0x0  }
0xaa: {  	s25 =	simm.s32 $0x1B8E;
	s24 =	sld [smem:$0x3FFE];
	[sflag:s23] =	ssyncadd.s32 $0xFFFFFFFF  }
0xab: {  	s26 =	simm.s32 $execute0_lowered;
	[smem:$0x3FD2] =	sst s25  }
0xac: {  	s6 =	sshll.u32 s26, $0x1;
	_ =	strace $0x80000046;
	[dreg:$0x1] =	wrdreg $0xFFFFFFFF  }
0xad: {  	s28 =	simm.s32 $_size_execute0_lowered;
	s4 =	sadd.s32 s4, s6;
	[dreg:$0x0] =	wrdreg $0x0  }
0xae: {  	s6 =	sshll.u32 s28, $0x1;
	[dreg:$0x2] =	wrdreg s4  }
0xaf: {  	[dreg:$0x3] =	wrdreg s6  }
0xb0: {  	[dreg:$0x4] =	wrdreg $0xC0  }
0xb1: {  	_ =	task [dreg:s8], $0x5FFFF  }
0xb2: {  	[dreg:$0x1] =	wrdreg $0xFFFFFFFF  }
0xb3: {  	[dreg:$0x0] =	wrdreg $0x60  }
0xb4: {  	[dreg:$0x2] =	wrdreg s24  }
0xb5: {  	[dreg:$0x3] =	wrdreg s17  }
0xb6: {  	[dreg:$0x4] =	wrdreg s16  }
0xb7: {  	[dreg:$0x5] =	wrdreg $0x9  }
0xb8: {  	_ =	task.clear_ibuf [dreg:s8], $0x6FFFF;
	_ =	strace $0x90000046  }
0xb9: {  	s29 =	simm.s32 $0x9;
	_ =	strace $0x80000048  }
0xba: {  	_ =	swait.ge [sflag:s29], $0x1  }
0xbb: {  	[sflag:s29] =	ssyncadd.s32 $0xFFFFFFFF  }
0xbc: {  	_ =	strace $0x90000048  }
0xbd: {  	_ =	sfence  }
0xbe: {  	s30 =	sld [smem:$0x0];
	_ =	sdelay $0x2  }
0xbf: {  	s31 =	sshll.u32 s1, $0xD;
	s1 =	sshrl.u32 s1, $0x2  }
0xc0: {  	s3 =	sand.u32 $0x4000, s31;
	s1 =	sadd.s32 s1, s30  }
0xc1: {  	s0 =	sor.u32 s3, s0;
	s1 =	sshll.u32 s1, $0x11  }
0xc2: {  	s0 =	sor.u32 s1, s0  }
0xc3: {  	s0 =	sadd.s32 $0x8F2B, s0  }
0xc4: {  	[sflag:s0] =	ssyncadd.remote.s32 $0x1  }
0xc5: {  	_ =	sfence.sel $0xFFFF  }
0xc6: {  	[dreg:$0x0] =	wrdreg $0xFFFFFFFF;
	(pc) =	sbr.abs _section_cstart, $3  }
0xc7: {  	[dreg:$0x1] =	wrdreg $0xFFFFFFFF  }
0xc8: {  	_ =	task.clear_ibuf [dreg:s8], $0x2FFFF;
	_ =	strace $0x9FFFFFFF  }
0xc9: {  	(tm) =	ssettm $0x7FFFFFFF  }
tec
execute0_lowered:
.L_overlay_start_1:
0x0: {  	(tag) =	ssettag $0x1  }
0x1: {  	s4 =	rddreg [dreg:$0x0]  }
0x2: {  	s5 =	rddreg [dreg:$0x1]  }
0x3: {  	s6 =	rddreg [dreg:$0x2]  }
0x4: {  	s0 =	rddreg [dreg:$0x3];
	s3 =	srdreg.scid  }
0x5: {  	s1 =	stileid.u32;
	s2 =	simm.s32 $0x0;
	s10 =	simm.s32 $0x4200  }
0x6: {  	s11 =	simm.s32 $0x1;
	s3 =	sand.u32 $0x1, s3;
	s7 =	sshll.u32 s1, $0x1  }
0x7: {  	s12 =	simm.s32 $0x0;
	[smem:$0x7FF] =	sst s2;
	s7 =	sor.u32 s3, s7  }
0x8: {  	_ =	strace $0x80000047;
	s9 =	ssub.s32 $0x2, s3;
	s3 =	sadd.s32 $0x3E00, s4  }
0x9: {  	s8 =	sshll.u32 s7, $0xA;
	s30 =	sshrl.u32 s9, $0x1;
	s31 =	sshll.u32 s7, $0x6  }
0xa: {  	s7 =	sshll.u32 s7, $0xB;
	s8 =	sadd.s32 s8, s4;
	s9 =	ssub.s32 s9, s30  }
0xb: {  	s4 =	sadd.s32 s5, s31;
	s6 =	sadd.s32 s6, s7;
	s5 =	sadd.s32 $0xBE00, s8  }
0xc: {  	v0 =	vimm.f32 $0.0e+00;
	v1 =	vimm.f32 $1.000000000e+00;
	s7 =	smax.u32 s9, $0x1;
	s8 =	simm.s32 $0x2;
	s9 =	simm.s32 $0x200  }
.LBB2_1:
0xd: {  	[tilespmem:s2], [sflag:$0x2] =	stream.linear.gather [hbm4b:s4+s2], $0x200, $0x38;
	[tilespmem:$0x6200] =	vst v63  }
0xe: {  	_ =	swait.ge [sflag:s8], $0x200  }
0xf: {  	[sflag:s8] =	ssyncset.done $0x0  }
0x10: {  	s13 =	simm.s32 $0x40;
	s14 =	simm.s32 $0x0;
	[sflag:s8] =	ssyncadd.s32 $0xFFFFFE00  }
0x11: {  	[tilespmem:s9], [sflag:$0x1] =	stream.indirect.gather [hbm4b:s3+s9], $0x20, s2, s9, $0xb8;
	[tilespmem:$0x6200] =	vst v63  }
.LBB2_2:
0x12: {  	p0 =	sne.s32 s13, $0x7FC0;
	[tilespmem:s14+$0x4200] =	vst v0;
	s14 =	smov.u32 s13;
	s13 =	sadd.s32 $0x40, s13  }
.Ltmp0:
0x13: {  	(pc) =	sbr.rel @p0 .LBB2_2-.Ltmp0, $2  }
0x14: {  	_ =	sdelay $0x2  }
0x15: {  	s14 =	sshra.s32 s14, $0x2  }
0x16: {  	[tilespmem:s14+$0x4200] =	vst v0  }
0x17: {  	v2 =	vld [tilespmem:$0x0];
	_ =	sdelay $0x7  }
0x18: {  	[tilespmem:v2+s10+$0x0] =	vst.idx.msk $0xffff, v1  }
0x19: {  	v2 =	vld [tilespmem:$0x10];
	_ =	sdelay $0x7  }
0x1a: {  	[tilespmem:v2+s10+$0x0] =	vst.idx.msk $0xffff, v1  }
0x1b: {  	v2 =	vld [tilespmem:$0x20];
	_ =	sdelay $0x7  }
0x1c: {  	[tilespmem:v2+s10+$0x0] =	vst.idx.msk $0xffff, v1  }
0x1d: {  	v2 =	vld [tilespmem:$0x30];
	_ =	sdelay $0x7  }
0x1e: {  	[tilespmem:v2+s10+$0x0] =	vst.idx.msk $0xffff, v1  }
0x1f: {  	v2 =	vld [tilespmem:$0x40];
	_ =	sdelay $0x7  }
0x20: {  	[tilespmem:v2+s10+$0x0] =	vst.idx.msk $0xffff, v1  }
0x21: {  	v2 =	vld [tilespmem:$0x50];
	_ =	sdelay $0x7  }
0x22: {  	[tilespmem:v2+s10+$0x0] =	vst.idx.msk $0xffff, v1  }
0x23: {  	v2 =	vld [tilespmem:$0x60];
	_ =	sdelay $0x7  }
0x24: {  	[tilespmem:v2+s10+$0x0] =	vst.idx.msk $0xffff, v1  }
0x25: {  	v2 =	vld [tilespmem:$0x70];
	_ =	sdelay $0x7  }
0x26: {  	[tilespmem:v2+s10+$0x0] =	vst.idx.msk $0xffff, v1  }
0x27: {  	v2 =	vld [tilespmem:$0x80];
	_ =	sdelay $0x7  }
0x28: {  	[tilespmem:v2+s10+$0x0] =	vst.idx.msk $0xffff, v1  }
0x29: {  	v2 =	vld [tilespmem:$0x90];
	_ =	sdelay $0x7  }
0x2a: {  	[tilespmem:v2+s10+$0x0] =	vst.idx.msk $0xffff, v1  }
0x2b: {  	v2 =	vld [tilespmem:$0xA0];
	_ =	sdelay $0x7  }
0x2c: {  	[tilespmem:v2+s10+$0x0] =	vst.idx.msk $0xffff, v1  }
0x2d: {  	v2 =	vld [tilespmem:$0xB0];
	_ =	sdelay $0x7  }
0x2e: {  	[tilespmem:v2+s10+$0x0] =	vst.idx.msk $0xffff, v1  }
0x2f: {  	v2 =	vld [tilespmem:$0xC0];
	_ =	sdelay $0x7  }
0x30: {  	[tilespmem:v2+s10+$0x0] =	vst.idx.msk $0xffff, v1  }
0x31: {  	v2 =	vld [tilespmem:$0xD0];
	_ =	sdelay $0x7  }
0x32: {  	[tilespmem:v2+s10+$0x0] =	vst.idx.msk $0xffff, v1  }
0x33: {  	v2 =	vld [tilespmem:$0xE0];
	_ =	sdelay $0x7  }
0x34: {  	[tilespmem:v2+s10+$0x0] =	vst.idx.msk $0xffff, v1  }
0x35: {  	v2 =	vld [tilespmem:$0xF0];
	_ =	sdelay $0x7  }
0x36: {  	[tilespmem:v2+s10+$0x0] =	vst.idx.msk $0xffff, v1  }
0x37: {  	v2 =	vld [tilespmem:$0x100];
	_ =	sdelay $0x7  }
0x38: {  	[tilespmem:v2+s10+$0x0] =	vst.idx.msk $0xffff, v1  }
0x39: {  	v2 =	vld [tilespmem:$0x110];
	_ =	sdelay $0x7  }
0x3a: {  	[tilespmem:v2+s10+$0x0] =	vst.idx.msk $0xffff, v1  }
0x3b: {  	v2 =	vld [tilespmem:$0x120];
	_ =	sdelay $0x7  }
0x3c: {  	[tilespmem:v2+s10+$0x0] =	vst.idx.msk $0xffff, v1  }
0x3d: {  	v2 =	vld [tilespmem:$0x130];
	_ =	sdelay $0x7  }
0x3e: {  	[tilespmem:v2+s10+$0x0] =	vst.idx.msk $0xffff, v1  }
0x3f: {  	v2 =	vld [tilespmem:$0x140];
	_ =	sdelay $0x7  }
0x40: {  	[tilespmem:v2+s10+$0x0] =	vst.idx.msk $0xffff, v1  }
0x41: {  	v2 =	vld [tilespmem:$0x150];
	_ =	sdelay $0x7  }
0x42: {  	[tilespmem:v2+s10+$0x0] =	vst.idx.msk $0xffff, v1  }
0x43: {  	v2 =	vld [tilespmem:$0x160];
	_ =	sdelay $0x7  }
0x44: {  	[tilespmem:v2+s10+$0x0] =	vst.idx.msk $0xffff, v1  }
0x45: {  	v2 =	vld [tilespmem:$0x170];
	_ =	sdelay $0x7  }
0x46: {  	[tilespmem:v2+s10+$0x0] =	vst.idx.msk $0xffff, v1  }
0x47: {  	v2 =	vld [tilespmem:$0x180];
	_ =	sdelay $0x7  }
0x48: {  	[tilespmem:v2+s10+$0x0] =	vst.idx.msk $0xffff, v1  }
0x49: {  	v2 =	vld [tilespmem:$0x190];
	_ =	sdelay $0x7  }
0x4a: {  	[tilespmem:v2+s10+$0x0] =	vst.idx.msk $0xffff, v1  }
0x4b: {  	v2 =	vld [tilespmem:$0x1A0];
	_ =	sdelay $0x7  }
0x4c: {  	[tilespmem:v2+s10+$0x0] =	vst.idx.msk $0xffff, v1  }
0x4d: {  	v2 =	vld [tilespmem:$0x1B0];
	_ =	sdelay $0x7  }
0x4e: {  	[tilespmem:v2+s10+$0x0] =	vst.idx.msk $0xffff, v1  }
0x4f: {  	v2 =	vld [tilespmem:$0x1C0];
	_ =	sdelay $0x7  }
0x50: {  	[tilespmem:v2+s10+$0x0] =	vst.idx.msk $0xffff, v1  }
0x51: {  	v2 =	vld [tilespmem:$0x1D0];
	_ =	sdelay $0x7  }
0x52: {  	[tilespmem:v2+s10+$0x0] =	vst.idx.msk $0xffff, v1  }
0x53: {  	v2 =	vld [tilespmem:$0x1E0];
	_ =	sdelay $0x7  }
0x54: {  	[tilespmem:v2+s10+$0x0] =	vst.idx.msk $0xffff, v1  }
0x55: {  	v2 =	vld [tilespmem:$0x1F0];
	_ =	sdelay $0x7  }
0x56: {  	[tilespmem:v2+s10+$0x0] =	vst.idx.msk $0xffff, v1  }
0x57: {  	[hbm4b:s5+s2] =	stream.linear.scatter [tilespmem:s10], [sflag:$0x2], $0x2000, $0x38;
	[tilespmem:$0x6200] =	vst v63  }
0x58: {  	_ =	swait.ge [sflag:s8], $0x2000  }
0x59: {  	[sflag:s8] =	ssyncset.done $0x0  }
0x5a: {  	[sflag:s8] =	ssyncadd.s32 $0xFFFFE000  }
0x5b: {  	s12 =	sadd.s32 $0x1, s12;
	_ =	swait.ge [sflag:s11], $0x4000  }
0x5c: {  	p0 =	sne.s32 s12, s7;
	[sflag:s11] =	ssyncset.done $0x0  }
.Ltmp1:
0x5d: {  	[sflag:s11] =	ssyncadd.s32 $0xFFFFC000;
	(pc) =	sbr.rel @p0 .LBB2_1-.Ltmp1, $4  }
0x5e: {  	[hbm4b:s6+s2] =	stream.linear.scatter [tilespmem:s9], [sflag:$0x2], $0x4000, $0x38;
	[tilespmem:$0x6200] =	vst v63  }
0x5f: {  	_ =	swait.ge [sflag:s8], $0x4000  }
0x60: {  	[sflag:s8] =	ssyncset.done $0x0  }
0x61: {  	[sflag:s8] =	ssyncadd.s32 $0xFFFFC000  }
0x62: {  	_ =	sfence.sel $0x180000  }
0x63: {  	[bflag:$0x0] =	sbarrier.arrive $0xFFFF  }
0x64: {  	p0 =	sne.s32 s1, $0x0;
	_ =	strace $0x90000047  }
0x65: {  	s0 =	sadd.s32 @!p0 $0x100000, s0;
	[bflag:$0x2] =	sbarrier.arrive $0xFFFF  }
0x66: {  	[sflag:s0] =	ssyncadd.tile.s32 @!p0 $0x1;
	_ =	shalt  }
.Lfunc_end2:
_tile_overlayer_lowered:
.L_overlay_start_2:
0x67: {  	(tag) =	ssettag $0x2  }
0x68: {  	s0 =	rddreg [dreg:$0x0];
	s2 =	stileid.u32  }
0x69: {  	s1 =	rddreg [dreg:$0x1];
	p0 =	sne.s32 s2, $0x0  }
0x6a: {  	s3 =	rddreg [dreg:$0x2];
	[bflag:$0x3] =	sbarrier.arrive $0xFFFF;
	s2 =	simm.s32 @!p0 $0x1C02  }
0x6b: {  	[timem:s3], [sflag:s2] =	dma.local @!p0 [hbm:s0], s1  }
0x6c: {  	s0 =	simm.s32 @!p0 $0x2  }
0x6d: {  	_ =	swait.ge @!p0 [sflag:s0], s1  }
0x6e: {  	s1 =	ssub.s32 @!p0 $0x0, s1;
	[sflag:s0] =	ssyncset.done @!p0 $0x0  }
0x6f: {  	[sflag:s0] =	ssyncadd.s32 @!p0 s1  }
0x70: {  	[bflag:$0x3] =	sbarrier.arrive $0xFFFF  }
0x71: {  	_ =	shalt  }

// kernel: kernel.15.cloned.1.call-start
scs
__scs_entry_jumppad:
0x0: {  	(pc) =	sbr.rel $0x88, $3  }
0x1: {  	(tag) =	ssettag $0x0;
	lr =	simm.s32 $0x1  }
0x2: {  	[smem:$0x3F9F] =	sst lr;
	_ =	strace $0xD0000000  }
0x3: {  	_ = 	snop  }
0x4: {  	_ = 	snop  }
0x5: {  	_ = 	snop  }
0x6: {  	_ = 	snop  }
0x7: {  	_ = 	snop  }
__scs_overlays_trampoline_lowered:
0x8: {  	[smem:$0x3FAE] =	sst s0  }
0x9: {  	[smem:$0x3FAF] =	sst s1  }
0xa: {  	[smem:$0x3FB0] =	sst s2  }
0xb: {  	[smem:$0x3FB1] =	sst s3  }
0xc: {  	[smem:$0x3FB2] =	sst s4  }
0xd: {  	[smem:$0x3FB3] =	sst s5  }
0xe: {  	[smem:$0x3FB4] =	sst s6  }
0xf: {  	[smem:$0x3FB5] =	sst s7  }
0x10: {  	[smem:$0x3FB6] =	sst s8  }
0x11: {  	[smem:$0x3FB7] =	sst s9;
	s0 =	simm.s32 @!p0 $0x0  }
0x12: {  	s1 =	sld [smem:$0x3F9D];
	s0 =	simm.s32 @p0 $0x1  }
0x13: {  	[smem:$0x3FB8] =	sst s0;
	s0 =	simm.s32 @!p1 $0x0  }
0x14: {  	s2 =	sld [smem:$0x3F9C];
	s0 =	simm.s32 @p1 $0x1  }
0x15: {  	[smem:$0x3FB9] =	sst s0;
	s0 =	simm.s32 @!p2 $0x0  }
0x16: {  	s3 =	sld [smem:$0x3FDB];
	s0 =	simm.s32 @p2 $0x1  }
0x17: {  	s4 =	simm.s32 $0x1BF5;
	[smem:$0x3FBB] =	sst s0  }
0x18: {  	s0 =	sld [smem:$0x3F9E];
	_ =	swait.ge [sflag:s4], $0x0  }
0x19: {  	s7 =	sld [smem:$0x3F9F]  }
0x1a: {  	s8 =	sadd.s32 $0xFFFFE003, lr  }
0x1b: {  	s9 =	sadd.s32 $0xFFFFFEF7, lr;
	s5 =	simm.s32 $0xFFFFFFFF;
	p2 =	slt.u32 s8, $0xFFFFF086  }
0x1c: {  	p1 =	slt.u32 s9, $0xF7A;
	s5 =	simm.s32 @!p2 $0x0  }
0x1d: {  	s5 =	simm.s32 @p1 $0x1;
	p0 =	seq.s32 s7, s2  }
0x1e: {  	s7 =	smul.u32 @!p0 $0xF7A, s2;
	p2 =	seq.s32 @!p0 s5, $0x0  }
0x1f: {  	s9 =	smul.u32 $0xF7A, s1;
	s8 =	simm.s32 @!p0 $0x1BF5;
	p2 =	por !p2, p0  }
0x20: {  	[sflag:s8] =	ssyncset.s32 @!p0 $0xFFFFF086;
	s6 =	sadd.s32 @!p0 s3, s7;
	s7 =	simm.s32 @!p0 $0x108  }
0x21: {  	s3 =	sadd.s32 s3, s9;
	s6 =	sadd.s32 @!p0 $0x88, s6;
	s7 =	simm.s32 @p2 $0x1082  }
0x22: {  	[simem:s7], [sflag:s8] =	dma.local @!p0 [hbm:s6], $0xF7A  }
0x23: {  	s9 =	sor.u32 $0xD0000000, s2;
	s6 =	simm.s32 $0x108;
	_ =	swait.ge @!p0 [sflag:s8], $0x0  }
0x24: {  	s3 =	sadd.s32 $0x88, s3;
	s6 =	simm.s32 @!p1 $0x1082;
	[sflag:s4] =	ssyncset.s32 $0xFFFFF086  }
0x25: {  	[simem:s6], [sflag:s4] =	dma.local [hbm:s3], $0xF7A  }
0x26: {  	[smem:$0x3F9F] =	sst s1;
	(tag) =	ssettag s2;
	_ =	strace s9  }
0x27: {  	s1 =	sld [smem:$0x3FAF]  }
0x28: {  	s2 =	sld [smem:$0x3FB0]  }
0x29: {  	s4 =	sld [smem:$0x3FB2]  }
0x2a: {  	p0 =	seq.s32 s5, $0x0;
	s5 =	sld [smem:$0x3FB3]  }
0x2b: {  	s6 =	sld [smem:$0x3FB4]  }
0x2c: {  	s7 =	sld [smem:$0x3FB5]  }
0x2d: {  	s3 =	simm.s32 $0x108;
	s8 =	sld [smem:$0x3FB6]  }
0x2e: {  	s3 =	simm.s32 @!p0 $0x1082;
	s9 =	sld [smem:$0x3FB7]  }
0x2f: {  	lr =	sadd.s32 s0, s3;
	s0 =	sld [smem:$0x3FAE]  }
0x30: {  	s3 =	sld [smem:$0x3FB1]  }
0x31: {  	[smem:$0x3FBA] =	sst s10  }
0x32: {  	s10 =	sld [smem:$0x3FB8];
	_ =	sdelay $0x3  }
0x33: {  	p0 =	seq.s32 s10, $0x1;
	s10 =	sld [smem:$0x3FBA];
	_ =	sdelay $0x3  }
0x34: {  	[smem:$0x3FBA] =	sst s10  }
0x35: {  	s10 =	sld [smem:$0x3FB9];
	_ =	sdelay $0x3  }
0x36: {  	p1 =	seq.s32 s10, $0x1;
	s10 =	sld [smem:$0x3FBA];
	_ =	sdelay $0x3  }
0x37: {  	[smem:$0x3FBA] =	sst s10  }
0x38: {  	s10 =	sld [smem:$0x3FBB]  }
0x39: {  	_ = 	snop;
	(pc) =	sbr.ind lr, $3  }
0x3a: {  	_ = 	snop  }
0x3b: {  	_ = 	snop  }
0x3c: {  	p2 =	seq.s32 s10, $0x1;
	s10 =	sld [smem:$0x3FBA]  }
0x3d: {  	_ =	shalt  }
0x3e: {  	_ =	shalt  }
0x3f: {  	_ =	shalt  }
0x40: {  	_ =	shalt  }
0x41: {  	_ =	shalt  }
0x42: {  	_ =	shalt  }
0x43: {  	_ =	shalt  }
0x44: {  	_ =	shalt  }
0x45: {  	_ =	shalt  }
0x46: {  	_ =	shalt  }
0x47: {  	_ =	shalt  }
0x48: {  	_ =	shalt  }
0x49: {  	_ =	shalt  }
0x4a: {  	_ =	shalt  }
0x4b: {  	_ =	shalt  }
0x4c: {  	_ =	shalt  }
0x4d: {  	_ =	shalt  }
0x4e: {  	_ =	shalt  }
0x4f: {  	_ =	shalt  }
0x50: {  	_ =	shalt  }
0x51: {  	_ =	shalt  }
0x52: {  	_ =	shalt  }
0x53: {  	_ =	shalt  }
0x54: {  	_ =	shalt  }
0x55: {  	_ =	shalt  }
0x56: {  	_ =	shalt  }
0x57: {  	_ =	shalt  }
0x58: {  	_ =	shalt  }
0x59: {  	_ =	shalt  }
0x5a: {  	_ =	shalt  }
0x5b: {  	_ =	shalt  }
0x5c: {  	_ =	shalt  }
0x5d: {  	_ =	shalt  }
0x5e: {  	_ =	shalt  }
0x5f: {  	_ =	shalt  }
0x60: {  	_ =	shalt  }
0x61: {  	_ =	shalt  }
0x62: {  	_ =	shalt  }
0x63: {  	_ =	shalt  }
0x64: {  	_ =	shalt  }
0x65: {  	_ =	shalt  }
0x66: {  	_ =	shalt  }
0x67: {  	_ =	shalt  }
0x68: {  	_ =	shalt  }
0x69: {  	_ =	shalt  }
0x6a: {  	_ =	shalt  }
0x6b: {  	_ =	shalt  }
0x6c: {  	_ =	shalt  }
0x6d: {  	_ =	shalt  }
0x6e: {  	_ =	shalt  }
0x6f: {  	_ =	shalt  }
0x70: {  	_ =	shalt  }
0x71: {  	_ =	shalt  }
0x72: {  	_ =	shalt  }
0x73: {  	_ =	shalt  }
0x74: {  	_ =	shalt  }
0x75: {  	_ =	shalt  }
0x76: {  	_ =	shalt  }
0x77: {  	_ =	shalt  }
0x78: {  	_ =	shalt  }
0x79: {  	_ =	shalt  }
0x7a: {  	_ =	shalt  }
0x7b: {  	_ =	shalt  }
0x7c: {  	_ =	shalt  }
0x7d: {  	_ =	shalt  }
0x7e: {  	_ =	shalt  }
0x7f: {  	_ =	shalt  }
0x80: {  	_ =	shalt  }
0x81: {  	_ =	shalt  }
0x82: {  	_ =	shalt  }
0x83: {  	_ =	shalt  }
0x84: {  	_ =	shalt  }
0x85: {  	_ =	shalt  }
0x86: {  	_ =	shalt  }
0x87: {  	_ =	shalt  }
.Lfunc_end0:
.L_simem_size_0:
called_computation.1_lowered:
.L_overlay_start_0:
0x88: {  	s2 =	sld [smem:$0x3FD9]  }
0x89: {  	s3 =	sld [smem:$0x3FFE];
	_ =	sdelay $0x1  }
0x8a: {  	s1 =	srdreg.scid  }
0x8b: {  	s0 =	sand.u32 $0x1, s1  }
0x8c: {  	s14 =	sshll.u32 s0, $0xA;
	s2 =	sadd.s32 s3, s2  }
0x8d: {  	s2 =	sadd.s32 s2, s14  }
0x8e: {  	[smem:$0x3FC6] =	sst s2  }
0x8f: {  	_ = 	snop  }
0x90: {  	s2 =	sld [smem:$0x3FD0];
	_ =	sdelay $0x2  }
0x91: {  	s15 =	simm.s32 $0xA;
	s4 =	simm.s32 $0x10  }
0x92: {  	[smem:s4], [sflag:s15] =	dma.local [hbm:s2], $0x1  }
0x93: {  	_ =	swait.eq [sflag:s15], $0x1  }
0x94: {  	[sflag:s15] =	ssyncset.done $0x0  }
0x95: {  	[sflag:s15] =	ssyncadd.s32 $0xFFFFFFFF  }
0x96: {  	s16 =	sld [smem:$0x10];
	(tm) =	ssettm $0x1  }
0x97: {  	s17 =	sld [smem:$0x3FFB];
	_ =	sdelay $0x3  }
0x98: {  	_ =	strace s17  }
0x99: {  	s3 =	sld [smem:$0x3FFC];
	_ =	sdelay $0x3  }
0x9a: {  	_ =	strace s3  }
0x9b: {  	s3 =	sld [smem:$0x3FFD];
	_ =	sdelay $0x3  }
0x9c: {  	_ =	strace s3  }
0x9d: {  	_ =	strace $0x8FFFFFFF  }
0x9e: {  	s18 =	sld [smem:$0x3FDB];
	_ =	sdelay $0x1  }
0x9f: {  	s19 =	simm.s32 $_scs_section_size  }
0xa0: {  	s5 =	simm.s32 $_size__tile_overlayer_lowered;
	s6 =	simm.s32 $_tile_overlayer_lowered  }
0xa1: {  	s22 =	simm.s32 $0x1BFF;
	s21 =	sshll.u32 s6, $0x1;
	s3 =	sadd.s32 s19, s18  }
0xa2: {  	s7 =	simm.s32 $0x0;
	s20 =	sshll.u32 s5, $0x1;
	s5 =	sadd.s32 s21, s3  }
0xa3: {  	[timem:s7], [sflag:s22] =	dma.local [hbm:s5], s20  }
0xa4: {  	_ =	swait.ge [sflag:s22], s20  }
0xa5: {  	s4 =	ssub.s32 $0x0, s20;
	[sflag:s22] =	ssyncset.done $0x0  }
0xa6: {  	[sflag:s22] =	ssyncadd.s32 s4;
	_ =	sdelay $0x1  }
0xa7: {  	s23 =	simm.s32 $0x1B8B  }
0xa8: {  	_ =	swait.ge [sflag:s23], $0x1  }
0xa9: {  	[sflag:s23] =	ssyncset.done $0x0  }
0xaa: {  	s25 =	simm.s32 $0x1B8E;
	s24 =	sld [smem:$0x3FFE];
	[sflag:s23] =	ssyncadd.s32 $0xFFFFFFFF  }
0xab: {  	s26 =	simm.s32 $execute0_lowered;
	[smem:$0x3FD2] =	sst s25  }
0xac: {  	s5 =	sshll.u32 s26, $0x1;
	_ =	strace $0x80000049;
	[dreg:$0x1] =	wrdreg $0xFFFFFFFF  }
0xad: {  	s28 =	simm.s32 $_size_execute0_lowered;
	s3 =	sadd.s32 s3, s5;
	[dreg:$0x0] =	wrdreg $0x0  }
0xae: {  	s5 =	sshll.u32 s28, $0x1;
	[dreg:$0x2] =	wrdreg s3  }
0xaf: {  	[dreg:$0x3] =	wrdreg s5  }
0xb0: {  	[dreg:$0x4] =	wrdreg $0xC0  }
0xb1: {  	_ =	task [dreg:s7], $0x5FFFF  }
0xb2: {  	[dreg:$0x1] =	wrdreg $0xFFFFFFFF  }
0xb3: {  	[dreg:$0x0] =	wrdreg $0x60  }
0xb4: {  	[dreg:$0x2] =	wrdreg s24  }
0xb5: {  	[dreg:$0x3] =	wrdreg s16  }
0xb6: {  	[dreg:$0x4] =	wrdreg $0x9  }
0xb7: {  	_ =	task.clear_ibuf [dreg:s7], $0x5FFFF;
	_ =	strace $0x90000049  }
0xb8: {  	s29 =	simm.s32 $0x9;
	_ =	strace $0x8000004B  }
0xb9: {  	_ =	swait.ge [sflag:s29], $0x1  }
0xba: {  	[sflag:s29] =	ssyncadd.s32 $0xFFFFFFFF  }
0xbb: {  	_ =	strace $0x9000004B  }
0xbc: {  	_ =	sfence  }
0xbd: {  	s30 =	sld [smem:$0x0];
	_ =	sdelay $0x2  }
0xbe: {  	s31 =	sshll.u32 s1, $0xD;
	s1 =	sshrl.u32 s1, $0x2  }
0xbf: {  	s3 =	sand.u32 $0x4000, s31;
	s1 =	sadd.s32 s1, s30  }
0xc0: {  	s0 =	sor.u32 s3, s0;
	s1 =	sshll.u32 s1, $0x11  }
0xc1: {  	s0 =	sor.u32 s1, s0  }
0xc2: {  	s0 =	sadd.s32 $0x8F2B, s0  }
0xc3: {  	[sflag:s0] =	ssyncadd.remote.s32 $0x1  }
0xc4: {  	_ =	sfence.sel $0xFFFF  }
0xc5: {  	[dreg:$0x0] =	wrdreg $0xFFFFFFFF;
	(pc) =	sbr.abs _section_cstart, $3  }
0xc6: {  	[dreg:$0x1] =	wrdreg $0xFFFFFFFF  }
0xc7: {  	_ =	task.clear_ibuf [dreg:s7], $0x2FFFF;
	_ =	strace $0x9FFFFFFF  }
0xc8: {  	(tm) =	ssettm $0x7FFFFFFF  }
0xc9: {  	_ =	shalt  }
tec
execute0_lowered:
.L_overlay_start_1:
0x0: {  	(tag) =	ssettag $0x1  }
0x1: {  	s4 =	rddreg [dreg:$0x0]  }
0x2: {  	s6 =	rddreg [dreg:$0x1]  }
0x3: {  	s0 =	rddreg [dreg:$0x2];
	s2 =	simm.s32 $0x0;
	s3 =	srdreg.scid  }
0x4: {  	s1 =	stileid.u32;
	s11 =	simm.s32 $0x1;
	s12 =	simm.s32 $0x0  }
0x5: {  	[smem:$0x7FF] =	sst s2;
	s5 =	sand.u32 $0x1, s3;
	s31 =	sshll.u32 s1, $0x1  }
0x6: {  	s3 =	sadd.s32 $0x13E00, s4;
	_ =	strace $0x8000004A;
	s7 =	sor.u32 s5, s31  }
0x7: {  	s5 =	ssub.s32 $0x2, s5;
	s8 =	sshll.u32 s7, $0x6;
	s9 =	sshll.u32 s7, $0xA  }
0x8: {  	s10 =	sshrl.u32 s5, $0x1;
	s7 =	sshll.u32 s7, $0xB;
	s8 =	sadd.s32 s8, s4  }
0x9: {  	s9 =	sadd.s32 s9, s4;
	s10 =	ssub.s32 s5, s10;
	s6 =	sadd.s32 s6, s7  }
0xa: {  	s4 =	sadd.s32 $0x4000, s8;
	s5 =	sadd.s32 $0x1BE00, s9;
	s7 =	smax.u32 s10, $0x1  }
0xb: {  	v0 =	vimm.f32 $0.0e+00;
	v1 =	vimm.f32 $1.000000000e+00;
	s8 =	simm.s32 $0x2;
	s9 =	simm.s32 $0x200;
	s10 =	simm.s32 $0x4200  }
.LBB2_1:
0xc: {  	[tilespmem:s2], [sflag:$0x2] =	stream.linear.gather [hbm4b:s4+s2], $0x200, $0x38;
	[tilespmem:$0x6200] =	vst v63  }
0xd: {  	_ =	swait.ge [sflag:s8], $0x200  }
0xe: {  	[sflag:s8] =	ssyncset.done $0x0  }
0xf: {  	s13 =	simm.s32 $0x40;
	s14 =	simm.s32 $0x0;
	[sflag:s8] =	ssyncadd.s32 $0xFFFFFE00  }
0x10: {  	[tilespmem:s9], [sflag:$0x1] =	stream.indirect.gather [hbm4b:s3+s9], $0x20, s2, s9, $0xb8;
	[tilespmem:$0x6200] =	vst v63  }
.LBB2_2:
0x11: {  	p0 =	sne.s32 s13, $0x7FC0;
	[tilespmem:s14+$0x4200] =	vst v0;
	s14 =	smov.u32 s13;
	s13 =	sadd.s32 $0x40, s13  }
.Ltmp0:
0x12: {  	(pc) =	sbr.rel @p0 .LBB2_2-.Ltmp0, $2  }
0x13: {  	_ =	sdelay $0x2  }
0x14: {  	s14 =	sshra.s32 s14, $0x2  }
0x15: {  	[tilespmem:s14+$0x4200] =	vst v0  }
0x16: {  	v2 =	vld [tilespmem:$0x0];
	_ =	sdelay $0x7  }
0x17: {  	[tilespmem:v2+s10+$0x0] =	vst.idx.msk $0xffff, v1  }
0x18: {  	v2 =	vld [tilespmem:$0x10];
	_ =	sdelay $0x7  }
0x19: {  	[tilespmem:v2+s10+$0x0] =	vst.idx.msk $0xffff, v1  }
0x1a: {  	v2 =	vld [tilespmem:$0x20];
	_ =	sdelay $0x7  }
0x1b: {  	[tilespmem:v2+s10+$0x0] =	vst.idx.msk $0xffff, v1  }
0x1c: {  	v2 =	vld [tilespmem:$0x30];
	_ =	sdelay $0x7  }
0x1d: {  	[tilespmem:v2+s10+$0x0] =	vst.idx.msk $0xffff, v1  }
0x1e: {  	v2 =	vld [tilespmem:$0x40];
	_ =	sdelay $0x7  }
0x1f: {  	[tilespmem:v2+s10+$0x0] =	vst.idx.msk $0xffff, v1  }
0x20: {  	v2 =	vld [tilespmem:$0x50];
	_ =	sdelay $0x7  }
0x21: {  	[tilespmem:v2+s10+$0x0] =	vst.idx.msk $0xffff, v1  }
0x22: {  	v2 =	vld [tilespmem:$0x60];
	_ =	sdelay $0x7  }
0x23: {  	[tilespmem:v2+s10+$0x0] =	vst.idx.msk $0xffff, v1  }
0x24: {  	v2 =	vld [tilespmem:$0x70];
	_ =	sdelay $0x7  }
0x25: {  	[tilespmem:v2+s10+$0x0] =	vst.idx.msk $0xffff, v1  }
0x26: {  	v2 =	vld [tilespmem:$0x80];
	_ =	sdelay $0x7  }
0x27: {  	[tilespmem:v2+s10+$0x0] =	vst.idx.msk $0xffff, v1  }
0x28: {  	v2 =	vld [tilespmem:$0x90];
	_ =	sdelay $0x7  }
0x29: {  	[tilespmem:v2+s10+$0x0] =	vst.idx.msk $0xffff, v1  }
0x2a: {  	v2 =	vld [tilespmem:$0xA0];
	_ =	sdelay $0x7  }
0x2b: {  	[tilespmem:v2+s10+$0x0] =	vst.idx.msk $0xffff, v1  }
0x2c: {  	v2 =	vld [tilespmem:$0xB0];
	_ =	sdelay $0x7  }
0x2d: {  	[tilespmem:v2+s10+$0x0] =	vst.idx.msk $0xffff, v1  }
0x2e: {  	v2 =	vld [tilespmem:$0xC0];
	_ =	sdelay $0x7  }
0x2f: {  	[tilespmem:v2+s10+$0x0] =	vst.idx.msk $0xffff, v1  }
0x30: {  	v2 =	vld [tilespmem:$0xD0];
	_ =	sdelay $0x7  }
0x31: {  	[tilespmem:v2+s10+$0x0] =	vst.idx.msk $0xffff, v1  }
0x32: {  	v2 =	vld [tilespmem:$0xE0];
	_ =	sdelay $0x7  }
0x33: {  	[tilespmem:v2+s10+$0x0] =	vst.idx.msk $0xffff, v1  }
0x34: {  	v2 =	vld [tilespmem:$0xF0];
	_ =	sdelay $0x7  }
0x35: {  	[tilespmem:v2+s10+$0x0] =	vst.idx.msk $0xffff, v1  }
0x36: {  	v2 =	vld [tilespmem:$0x100];
	_ =	sdelay $0x7  }
0x37: {  	[tilespmem:v2+s10+$0x0] =	vst.idx.msk $0xffff, v1  }
0x38: {  	v2 =	vld [tilespmem:$0x110];
	_ =	sdelay $0x7  }
0x39: {  	[tilespmem:v2+s10+$0x0] =	vst.idx.msk $0xffff, v1  }
0x3a: {  	v2 =	vld [tilespmem:$0x120];
	_ =	sdelay $0x7  }
0x3b: {  	[tilespmem:v2+s10+$0x0] =	vst.idx.msk $0xffff, v1  }
0x3c: {  	v2 =	vld [tilespmem:$0x130];
	_ =	sdelay $0x7  }
0x3d: {  	[tilespmem:v2+s10+$0x0] =	vst.idx.msk $0xffff, v1  }
0x3e: {  	v2 =	vld [tilespmem:$0x140];
	_ =	sdelay $0x7  }
0x3f: {  	[tilespmem:v2+s10+$0x0] =	vst.idx.msk $0xffff, v1  }
0x40: {  	v2 =	vld [tilespmem:$0x150];
	_ =	sdelay $0x7  }
0x41: {  	[tilespmem:v2+s10+$0x0] =	vst.idx.msk $0xffff, v1  }
0x42: {  	v2 =	vld [tilespmem:$0x160];
	_ =	sdelay $0x7  }
0x43: {  	[tilespmem:v2+s10+$0x0] =	vst.idx.msk $0xffff, v1  }
0x44: {  	v2 =	vld [tilespmem:$0x170];
	_ =	sdelay $0x7  }
0x45: {  	[tilespmem:v2+s10+$0x0] =	vst.idx.msk $0xffff, v1  }
0x46: {  	v2 =	vld [tilespmem:$0x180];
	_ =	sdelay $0x7  }
0x47: {  	[tilespmem:v2+s10+$0x0] =	vst.idx.msk $0xffff, v1  }
0x48: {  	v2 =	vld [tilespmem:$0x190];
	_ =	sdelay $0x7  }
0x49: {  	[tilespmem:v2+s10+$0x0] =	vst.idx.msk $0xffff, v1  }
0x4a: {  	v2 =	vld [tilespmem:$0x1A0];
	_ =	sdelay $0x7  }
0x4b: {  	[tilespmem:v2+s10+$0x0] =	vst.idx.msk $0xffff, v1  }
0x4c: {  	v2 =	vld [tilespmem:$0x1B0];
	_ =	sdelay $0x7  }
0x4d: {  	[tilespmem:v2+s10+$0x0] =	vst.idx.msk $0xffff, v1  }
0x4e: {  	v2 =	vld [tilespmem:$0x1C0];
	_ =	sdelay $0x7  }
0x4f: {  	[tilespmem:v2+s10+$0x0] =	vst.idx.msk $0xffff, v1  }
0x50: {  	v2 =	vld [tilespmem:$0x1D0];
	_ =	sdelay $0x7  }
0x51: {  	[tilespmem:v2+s10+$0x0] =	vst.idx.msk $0xffff, v1  }
0x52: {  	v2 =	vld [tilespmem:$0x1E0];
	_ =	sdelay $0x7  }
0x53: {  	[tilespmem:v2+s10+$0x0] =	vst.idx.msk $0xffff, v1  }
0x54: {  	v2 =	vld [tilespmem:$0x1F0];
	_ =	sdelay $0x7  }
0x55: {  	[tilespmem:v2+s10+$0x0] =	vst.idx.msk $0xffff, v1  }
0x56: {  	[hbm4b:s5+s2] =	stream.linear.scatter [tilespmem:s10], [sflag:$0x2], $0x2000, $0x38;
	[tilespmem:$0x6200] =	vst v63  }
0x57: {  	_ =	swait.ge [sflag:s8], $0x2000  }
0x58: {  	[sflag:s8] =	ssyncset.done $0x0  }
0x59: {  	[sflag:s8] =	ssyncadd.s32 $0xFFFFE000  }
0x5a: {  	s12 =	sadd.s32 $0x1, s12;
	_ =	swait.ge [sflag:s11], $0x4000  }
0x5b: {  	p0 =	sne.s32 s12, s7;
	[sflag:s11] =	ssyncset.done $0x0  }
.Ltmp1:
0x5c: {  	[sflag:s11] =	ssyncadd.s32 $0xFFFFC000;
	(pc) =	sbr.rel @p0 .LBB2_1-.Ltmp1, $4  }
0x5d: {  	[hbm4b:s6+s2] =	stream.linear.scatter [tilespmem:s9], [sflag:$0x2], $0x4000, $0x38;
	[tilespmem:$0x6200] =	vst v63  }
0x5e: {  	_ =	swait.ge [sflag:s8], $0x4000  }
0x5f: {  	[sflag:s8] =	ssyncset.done $0x0  }
0x60: {  	[sflag:s8] =	ssyncadd.s32 $0xFFFFC000  }
0x61: {  	_ =	sfence.sel $0x180000  }
0x62: {  	[bflag:$0x0] =	sbarrier.arrive $0xFFFF  }
0x63: {  	p0 =	sne.s32 s1, $0x0;
	_ =	strace $0x9000004A  }
0x64: {  	s0 =	sadd.s32 @!p0 $0x100000, s0;
	[bflag:$0x2] =	sbarrier.arrive $0xFFFF  }
0x65: {  	[sflag:s0] =	ssyncadd.tile.s32 @!p0 $0x1;
	_ =	shalt  }
.Lfunc_end2:
_tile_overlayer_lowered:
.L_overlay_start_2:
0x66: {  	(tag) =	ssettag $0x2  }
0x67: {  	s0 =	rddreg [dreg:$0x0];
	s2 =	stileid.u32  }
0x68: {  	s1 =	rddreg [dreg:$0x1];
	p0 =	sne.s32 s2, $0x0  }
0x69: {  	s3 =	rddreg [dreg:$0x2];
	[bflag:$0x3] =	sbarrier.arrive $0xFFFF;
	s2 =	simm.s32 @!p0 $0x1C02  }
0x6a: {  	[timem:s3], [sflag:s2] =	dma.local @!p0 [hbm:s0], s1  }
0x6b: {  	s0 =	simm.s32 @!p0 $0x2  }
0x6c: {  	_ =	swait.ge @!p0 [sflag:s0], s1  }
0x6d: {  	s1 =	ssub.s32 @!p0 $0x0, s1;
	[sflag:s0] =	ssyncset.done @!p0 $0x0  }
0x6e: {  	[sflag:s0] =	ssyncadd.s32 @!p0 s1  }
0x6f: {  	[bflag:$0x3] =	sbarrier.arrive $0xFFFF  }
0x70: {  	_ =	shalt  }

// kernel: kernel.18.cloned.1.call-start
scs
__scs_entry_jumppad:
0x0: {  	(pc) =	sbr.rel $0x88, $3  }
0x1: {  	(tag) =	ssettag $0x0;
	lr =	simm.s32 $0x1  }
0x2: {  	[smem:$0x3F9F] =	sst lr;
	_ =	strace $0xD0000000  }
0x3: {  	_ = 	snop  }
0x4: {  	_ = 	snop  }
0x5: {  	_ = 	snop  }
0x6: {  	_ = 	snop  }
0x7: {  	_ = 	snop  }
__scs_overlays_trampoline_lowered:
0x8: {  	[smem:$0x3FAE] =	sst s0  }
0x9: {  	[smem:$0x3FAF] =	sst s1  }
0xa: {  	[smem:$0x3FB0] =	sst s2  }
0xb: {  	[smem:$0x3FB1] =	sst s3  }
0xc: {  	[smem:$0x3FB2] =	sst s4  }
0xd: {  	[smem:$0x3FB3] =	sst s5  }
0xe: {  	[smem:$0x3FB4] =	sst s6  }
0xf: {  	[smem:$0x3FB5] =	sst s7  }
0x10: {  	[smem:$0x3FB6] =	sst s8  }
0x11: {  	[smem:$0x3FB7] =	sst s9;
	s0 =	simm.s32 @!p0 $0x0  }
0x12: {  	s1 =	sld [smem:$0x3F9D];
	s0 =	simm.s32 @p0 $0x1  }
0x13: {  	[smem:$0x3FB8] =	sst s0;
	s0 =	simm.s32 @!p1 $0x0  }
0x14: {  	s2 =	sld [smem:$0x3F9C];
	s0 =	simm.s32 @p1 $0x1  }
0x15: {  	[smem:$0x3FB9] =	sst s0;
	s0 =	simm.s32 @!p2 $0x0  }
0x16: {  	s3 =	sld [smem:$0x3FDB];
	s0 =	simm.s32 @p2 $0x1  }
0x17: {  	s4 =	simm.s32 $0x1BF5;
	[smem:$0x3FBB] =	sst s0  }
0x18: {  	s0 =	sld [smem:$0x3F9E];
	_ =	swait.ge [sflag:s4], $0x0  }
0x19: {  	s7 =	sld [smem:$0x3F9F]  }
0x1a: {  	s8 =	sadd.s32 $0xFFFFE003, lr  }
0x1b: {  	s9 =	sadd.s32 $0xFFFFFEF7, lr;
	s5 =	simm.s32 $0xFFFFFFFF;
	p2 =	slt.u32 s8, $0xFFFFF086  }
0x1c: {  	p1 =	slt.u32 s9, $0xF7A;
	s5 =	simm.s32 @!p2 $0x0  }
0x1d: {  	s5 =	simm.s32 @p1 $0x1;
	p0 =	seq.s32 s7, s2  }
0x1e: {  	s7 =	smul.u32 @!p0 $0xF7A, s2;
	p2 =	seq.s32 @!p0 s5, $0x0  }
0x1f: {  	s9 =	smul.u32 $0xF7A, s1;
	s8 =	simm.s32 @!p0 $0x1BF5;
	p2 =	por !p2, p0  }
0x20: {  	[sflag:s8] =	ssyncset.s32 @!p0 $0xFFFFF086;
	s6 =	sadd.s32 @!p0 s3, s7;
	s7 =	simm.s32 @!p0 $0x108  }
0x21: {  	s3 =	sadd.s32 s3, s9;
	s6 =	sadd.s32 @!p0 $0x88, s6;
	s7 =	simm.s32 @p2 $0x1082  }
0x22: {  	[simem:s7], [sflag:s8] =	dma.local @!p0 [hbm:s6], $0xF7A  }
0x23: {  	s9 =	sor.u32 $0xD0000000, s2;
	s6 =	simm.s32 $0x108;
	_ =	swait.ge @!p0 [sflag:s8], $0x0  }
0x24: {  	s3 =	sadd.s32 $0x88, s3;
	s6 =	simm.s32 @!p1 $0x1082;
	[sflag:s4] =	ssyncset.s32 $0xFFFFF086  }
0x25: {  	[simem:s6], [sflag:s4] =	dma.local [hbm:s3], $0xF7A  }
0x26: {  	[smem:$0x3F9F] =	sst s1;
	(tag) =	ssettag s2;
	_ =	strace s9  }
0x27: {  	s1 =	sld [smem:$0x3FAF]  }
0x28: {  	s2 =	sld [smem:$0x3FB0]  }
0x29: {  	s4 =	sld [smem:$0x3FB2]  }
0x2a: {  	p0 =	seq.s32 s5, $0x0;
	s5 =	sld [smem:$0x3FB3]  }
0x2b: {  	s6 =	sld [smem:$0x3FB4]  }
0x2c: {  	s7 =	sld [smem:$0x3FB5]  }
0x2d: {  	s3 =	simm.s32 $0x108;
	s8 =	sld [smem:$0x3FB6]  }
0x2e: {  	s3 =	simm.s32 @!p0 $0x1082;
	s9 =	sld [smem:$0x3FB7]  }
0x2f: {  	lr =	sadd.s32 s0, s3;
	s0 =	sld [smem:$0x3FAE]  }
0x30: {  	s3 =	sld [smem:$0x3FB1]  }
0x31: {  	[smem:$0x3FBA] =	sst s10  }
0x32: {  	s10 =	sld [smem:$0x3FB8];
	_ =	sdelay $0x3  }
0x33: {  	p0 =	seq.s32 s10, $0x1;
	s10 =	sld [smem:$0x3FBA];
	_ =	sdelay $0x3  }
0x34: {  	[smem:$0x3FBA] =	sst s10  }
0x35: {  	s10 =	sld [smem:$0x3FB9];
	_ =	sdelay $0x3  }
0x36: {  	p1 =	seq.s32 s10, $0x1;
	s10 =	sld [smem:$0x3FBA];
	_ =	sdelay $0x3  }
0x37: {  	[smem:$0x3FBA] =	sst s10  }
0x38: {  	s10 =	sld [smem:$0x3FBB]  }
0x39: {  	_ = 	snop;
	(pc) =	sbr.ind lr, $3  }
0x3a: {  	_ = 	snop  }
0x3b: {  	_ = 	snop  }
0x3c: {  	p2 =	seq.s32 s10, $0x1;
	s10 =	sld [smem:$0x3FBA]  }
0x3d: {  	_ =	shalt  }
0x3e: {  	_ =	shalt  }
0x3f: {  	_ =	shalt  }
0x40: {  	_ =	shalt  }
0x41: {  	_ =	shalt  }
0x42: {  	_ =	shalt  }
0x43: {  	_ =	shalt  }
0x44: {  	_ =	shalt  }
0x45: {  	_ =	shalt  }
0x46: {  	_ =	shalt  }
0x47: {  	_ =	shalt  }
0x48: {  	_ =	shalt  }
0x49: {  	_ =	shalt  }
0x4a: {  	_ =	shalt  }
0x4b: {  	_ =	shalt  }
0x4c: {  	_ =	shalt  }
0x4d: {  	_ =	shalt  }
0x4e: {  	_ =	shalt  }
0x4f: {  	_ =	shalt  }
0x50: {  	_ =	shalt  }
0x51: {  	_ =	shalt  }
0x52: {  	_ =	shalt  }
0x53: {  	_ =	shalt  }
0x54: {  	_ =	shalt  }
0x55: {  	_ =	shalt  }
0x56: {  	_ =	shalt  }
0x57: {  	_ =	shalt  }
0x58: {  	_ =	shalt  }
0x59: {  	_ =	shalt  }
0x5a: {  	_ =	shalt  }
0x5b: {  	_ =	shalt  }
0x5c: {  	_ =	shalt  }
0x5d: {  	_ =	shalt  }
0x5e: {  	_ =	shalt  }
0x5f: {  	_ =	shalt  }
0x60: {  	_ =	shalt  }
0x61: {  	_ =	shalt  }
0x62: {  	_ =	shalt  }
0x63: {  	_ =	shalt  }
0x64: {  	_ =	shalt  }
0x65: {  	_ =	shalt  }
0x66: {  	_ =	shalt  }
0x67: {  	_ =	shalt  }
0x68: {  	_ =	shalt  }
0x69: {  	_ =	shalt  }
0x6a: {  	_ =	shalt  }
0x6b: {  	_ =	shalt  }
0x6c: {  	_ =	shalt  }
0x6d: {  	_ =	shalt  }
0x6e: {  	_ =	shalt  }
0x6f: {  	_ =	shalt  }
0x70: {  	_ =	shalt  }
0x71: {  	_ =	shalt  }
0x72: {  	_ =	shalt  }
0x73: {  	_ =	shalt  }
0x74: {  	_ =	shalt  }
0x75: {  	_ =	shalt  }
0x76: {  	_ =	shalt  }
0x77: {  	_ =	shalt  }
0x78: {  	_ =	shalt  }
0x79: {  	_ =	shalt  }
0x7a: {  	_ =	shalt  }
0x7b: {  	_ =	shalt  }
0x7c: {  	_ =	shalt  }
0x7d: {  	_ =	shalt  }
0x7e: {  	_ =	shalt  }
0x7f: {  	_ =	shalt  }
0x80: {  	_ =	shalt  }
0x81: {  	_ =	shalt  }
0x82: {  	_ =	shalt  }
0x83: {  	_ =	shalt  }
0x84: {  	_ =	shalt  }
0x85: {  	_ =	shalt  }
0x86: {  	_ =	shalt  }
0x87: {  	_ =	shalt  }
.Lfunc_end0:
.L_simem_size_0:
called_computation.2_lowered:
.L_overlay_start_0:
0x88: {  	s2 =	sld [smem:$0x3FD9]  }
0x89: {  	s3 =	sld [smem:$0x3FFE];
	_ =	sdelay $0x1  }
0x8a: {  	s1 =	srdreg.scid  }
0x8b: {  	s0 =	sand.u32 $0x1, s1  }
0x8c: {  	s14 =	sshll.u32 s0, $0xA;
	s2 =	sadd.s32 s3, s2  }
0x8d: {  	s2 =	sadd.s32 s2, s14  }
0x8e: {  	[smem:$0x3FC6] =	sst s2  }
0x8f: {  	_ = 	snop  }
0x90: {  	s2 =	sld [smem:$0x3FD0];
	_ =	sdelay $0x2  }
0x91: {  	s15 =	simm.s32 $0xA;
	s4 =	simm.s32 $0x10  }
0x92: {  	[smem:s4], [sflag:s15] =	dma.local [hbm:s2], $0x1  }
0x93: {  	_ =	swait.eq [sflag:s15], $0x1  }
0x94: {  	[sflag:s15] =	ssyncset.done $0x0  }
0x95: {  	[sflag:s15] =	ssyncadd.s32 $0xFFFFFFFF  }
0x96: {  	s16 =	sld [smem:$0x10];
	(tm) =	ssettm $0x1  }
0x97: {  	s17 =	sld [smem:$0x3FFB];
	_ =	sdelay $0x3  }
0x98: {  	_ =	strace s17  }
0x99: {  	s3 =	sld [smem:$0x3FFC];
	_ =	sdelay $0x3  }
0x9a: {  	_ =	strace s3  }
0x9b: {  	s3 =	sld [smem:$0x3FFD];
	_ =	sdelay $0x3  }
0x9c: {  	_ =	strace s3  }
0x9d: {  	_ =	strace $0x8FFFFFFF  }
0x9e: {  	s18 =	sld [smem:$0x3FDB];
	_ =	sdelay $0x1  }
0x9f: {  	s19 =	simm.s32 $_scs_section_size  }
0xa0: {  	s5 =	simm.s32 $_size__tile_overlayer_lowered;
	s6 =	simm.s32 $_tile_overlayer_lowered  }
0xa1: {  	s22 =	simm.s32 $0x1BFF;
	s21 =	sshll.u32 s6, $0x1;
	s3 =	sadd.s32 s19, s18  }
0xa2: {  	s7 =	simm.s32 $0x0;
	s20 =	sshll.u32 s5, $0x1;
	s5 =	sadd.s32 s21, s3  }
0xa3: {  	[timem:s7], [sflag:s22] =	dma.local [hbm:s5], s20  }
0xa4: {  	_ =	swait.ge [sflag:s22], s20  }
0xa5: {  	s4 =	ssub.s32 $0x0, s20;
	[sflag:s22] =	ssyncset.done $0x0  }
0xa6: {  	[sflag:s22] =	ssyncadd.s32 s4;
	_ =	sdelay $0x1  }
0xa7: {  	s23 =	simm.s32 $0x1B8B  }
0xa8: {  	_ =	swait.ge [sflag:s23], $0x1  }
0xa9: {  	[sflag:s23] =	ssyncset.done $0x0  }
0xaa: {  	s25 =	simm.s32 $0x1B8E;
	s24 =	sld [smem:$0x3FFE];
	[sflag:s23] =	ssyncadd.s32 $0xFFFFFFFF  }
0xab: {  	s26 =	simm.s32 $execute0_lowered;
	[smem:$0x3FD2] =	sst s25  }
0xac: {  	s5 =	sshll.u32 s26, $0x1;
	_ =	strace $0x8000004C;
	[dreg:$0x1] =	wrdreg $0xFFFFFFFF  }
0xad: {  	s28 =	simm.s32 $_size_execute0_lowered;
	s3 =	sadd.s32 s3, s5;
	[dreg:$0x0] =	wrdreg $0x0  }
0xae: {  	s5 =	sshll.u32 s28, $0x1;
	[dreg:$0x2] =	wrdreg s3  }
0xaf: {  	[dreg:$0x3] =	wrdreg s5  }
0xb0: {  	[dreg:$0x4] =	wrdreg $0xC0  }
0xb1: {  	_ =	task [dreg:s7], $0x5FFFF  }
0xb2: {  	[dreg:$0x1] =	wrdreg $0xFFFFFFFF  }
0xb3: {  	[dreg:$0x0] =	wrdreg $0x60  }
0xb4: {  	[dreg:$0x2] =	wrdreg s24  }
0xb5: {  	[dreg:$0x3] =	wrdreg s16  }
0xb6: {  	[dreg:$0x4] =	wrdreg $0x9  }
0xb7: {  	_ =	task.clear_ibuf [dreg:s7], $0x5FFFF;
	_ =	strace $0x9000004C  }
0xb8: {  	s29 =	simm.s32 $0x9;
	_ =	strace $0x8000004E  }
0xb9: {  	_ =	swait.ge [sflag:s29], $0x1  }
0xba: {  	[sflag:s29] =	ssyncadd.s32 $0xFFFFFFFF  }
0xbb: {  	_ =	strace $0x9000004E  }
0xbc: {  	_ =	sfence  }
0xbd: {  	s30 =	sld [smem:$0x0];
	_ =	sdelay $0x2  }
0xbe: {  	s31 =	sshll.u32 s1, $0xD;
	s1 =	sshrl.u32 s1, $0x2  }
0xbf: {  	s3 =	sand.u32 $0x4000, s31;
	s1 =	sadd.s32 s1, s30  }
0xc0: {  	s0 =	sor.u32 s3, s0;
	s1 =	sshll.u32 s1, $0x11  }
0xc1: {  	s0 =	sor.u32 s1, s0  }
0xc2: {  	s0 =	sadd.s32 $0x8F2B, s0  }
0xc3: {  	[sflag:s0] =	ssyncadd.remote.s32 $0x1  }
0xc4: {  	_ =	sfence.sel $0xFFFF  }
0xc5: {  	[dreg:$0x0] =	wrdreg $0xFFFFFFFF;
	(pc) =	sbr.abs _section_cstart, $3  }
0xc6: {  	[dreg:$0x1] =	wrdreg $0xFFFFFFFF  }
0xc7: {  	_ =	task.clear_ibuf [dreg:s7], $0x2FFFF;
	_ =	strace $0x9FFFFFFF  }
0xc8: {  	(tm) =	ssettm $0x7FFFFFFF  }
0xc9: {  	_ =	shalt  }
tec
execute0_lowered:
.L_overlay_start_1:
0x0: {  	(tag) =	ssettag $0x1  }
0x1: {  	s4 =	rddreg [dreg:$0x0]  }
0x2: {  	s6 =	rddreg [dreg:$0x1]  }
0x3: {  	s0 =	rddreg [dreg:$0x2];
	s2 =	simm.s32 $0x0;
	s3 =	srdreg.scid  }
0x4: {  	s1 =	stileid.u32;
	s11 =	simm.s32 $0x1;
	s12 =	simm.s32 $0x0  }
0x5: {  	[smem:$0x7FF] =	sst s2;
	s5 =	sand.u32 $0x1, s3;
	s31 =	sshll.u32 s1, $0x1  }
0x6: {  	s3 =	sadd.s32 $0x23E00, s4;
	_ =	strace $0x8000004D;
	s7 =	sor.u32 s5, s31  }
0x7: {  	s5 =	ssub.s32 $0x2, s5;
	s8 =	sshll.u32 s7, $0x6;
	s9 =	sshll.u32 s7, $0xA  }
0x8: {  	s10 =	sshrl.u32 s5, $0x1;
	s7 =	sshll.u32 s7, $0xB;
	s8 =	sadd.s32 s8, s4  }
0x9: {  	s9 =	sadd.s32 s9, s4;
	s10 =	ssub.s32 s5, s10;
	s6 =	sadd.s32 s6, s7  }
0xa: {  	s4 =	sadd.s32 $0x4A00, s8;
	s5 =	sadd.s32 $0x13E00, s9;
	s7 =	smax.u32 s10, $0x1  }
0xb: {  	v0 =	vimm.f32 $0.0e+00;
	v1 =	vimm.f32 $1.000000000e+00;
	s8 =	simm.s32 $0x2;
	s9 =	simm.s32 $0x200;
	s10 =	simm.s32 $0x4200  }
.LBB2_1:
0xc: {  	[tilespmem:s2], [sflag:$0x2] =	stream.linear.gather [hbm4b:s4+s2], $0x200, $0x38;
	[tilespmem:$0x6200] =	vst v63  }
0xd: {  	_ =	swait.ge [sflag:s8], $0x200  }
0xe: {  	[sflag:s8] =	ssyncset.done $0x0  }
0xf: {  	s13 =	simm.s32 $0x40;
	s14 =	simm.s32 $0x0;
	[sflag:s8] =	ssyncadd.s32 $0xFFFFFE00  }
0x10: {  	[tilespmem:s9], [sflag:$0x1] =	stream.indirect.gather [hbm4b:s3+s9], $0x20, s2, s9, $0xb8;
	[tilespmem:$0x6200] =	vst v63  }
.LBB2_2:
0x11: {  	p0 =	sne.s32 s13, $0x7FC0;
	[tilespmem:s14+$0x4200] =	vst v0;
	s14 =	smov.u32 s13;
	s13 =	sadd.s32 $0x40, s13  }
.Ltmp0:
0x12: {  	(pc) =	sbr.rel @p0 .LBB2_2-.Ltmp0, $2  }
0x13: {  	_ =	sdelay $0x2  }
0x14: {  	s14 =	sshra.s32 s14, $0x2  }
0x15: {  	[tilespmem:s14+$0x4200] =	vst v0  }
0x16: {  	v2 =	vld [tilespmem:$0x0];
	_ =	sdelay $0x7  }
0x17: {  	[tilespmem:v2+s10+$0x0] =	vst.idx.msk $0xffff, v1  }
0x18: {  	v2 =	vld [tilespmem:$0x10];
	_ =	sdelay $0x7  }
0x19: {  	[tilespmem:v2+s10+$0x0] =	vst.idx.msk $0xffff, v1  }
0x1a: {  	v2 =	vld [tilespmem:$0x20];
	_ =	sdelay $0x7  }
0x1b: {  	[tilespmem:v2+s10+$0x0] =	vst.idx.msk $0xffff, v1  }
0x1c: {  	v2 =	vld [tilespmem:$0x30];
	_ =	sdelay $0x7  }
0x1d: {  	[tilespmem:v2+s10+$0x0] =	vst.idx.msk $0xffff, v1  }
0x1e: {  	v2 =	vld [tilespmem:$0x40];
	_ =	sdelay $0x7  }
0x1f: {  	[tilespmem:v2+s10+$0x0] =	vst.idx.msk $0xffff, v1  }
0x20: {  	v2 =	vld [tilespmem:$0x50];
	_ =	sdelay $0x7  }
0x21: {  	[tilespmem:v2+s10+$0x0] =	vst.idx.msk $0xffff, v1  }
0x22: {  	v2 =	vld [tilespmem:$0x60];
	_ =	sdelay $0x7  }
0x23: {  	[tilespmem:v2+s10+$0x0] =	vst.idx.msk $0xffff, v1  }
0x24: {  	v2 =	vld [tilespmem:$0x70];
	_ =	sdelay $0x7  }
0x25: {  	[tilespmem:v2+s10+$0x0] =	vst.idx.msk $0xffff, v1  }
0x26: {  	v2 =	vld [tilespmem:$0x80];
	_ =	sdelay $0x7  }
0x27: {  	[tilespmem:v2+s10+$0x0] =	vst.idx.msk $0xffff, v1  }
0x28: {  	v2 =	vld [tilespmem:$0x90];
	_ =	sdelay $0x7  }
0x29: {  	[tilespmem:v2+s10+$0x0] =	vst.idx.msk $0xffff, v1  }
0x2a: {  	v2 =	vld [tilespmem:$0xA0];
	_ =	sdelay $0x7  }
0x2b: {  	[tilespmem:v2+s10+$0x0] =	vst.idx.msk $0xffff, v1  }
0x2c: {  	v2 =	vld [tilespmem:$0xB0];
	_ =	sdelay $0x7  }
0x2d: {  	[tilespmem:v2+s10+$0x0] =	vst.idx.msk $0xffff, v1  }
0x2e: {  	v2 =	vld [tilespmem:$0xC0];
	_ =	sdelay $0x7  }
0x2f: {  	[tilespmem:v2+s10+$0x0] =	vst.idx.msk $0xffff, v1  }
0x30: {  	v2 =	vld [tilespmem:$0xD0];
	_ =	sdelay $0x7  }
0x31: {  	[tilespmem:v2+s10+$0x0] =	vst.idx.msk $0xffff, v1  }
0x32: {  	v2 =	vld [tilespmem:$0xE0];
	_ =	sdelay $0x7  }
0x33: {  	[tilespmem:v2+s10+$0x0] =	vst.idx.msk $0xffff, v1  }
0x34: {  	v2 =	vld [tilespmem:$0xF0];
	_ =	sdelay $0x7  }
0x35: {  	[tilespmem:v2+s10+$0x0] =	vst.idx.msk $0xffff, v1  }
0x36: {  	v2 =	vld [tilespmem:$0x100];
	_ =	sdelay $0x7  }
0x37: {  	[tilespmem:v2+s10+$0x0] =	vst.idx.msk $0xffff, v1  }
0x38: {  	v2 =	vld [tilespmem:$0x110];
	_ =	sdelay $0x7  }
0x39: {  	[tilespmem:v2+s10+$0x0] =	vst.idx.msk $0xffff, v1  }
0x3a: {  	v2 =	vld [tilespmem:$0x120];
	_ =	sdelay $0x7  }
0x3b: {  	[tilespmem:v2+s10+$0x0] =	vst.idx.msk $0xffff, v1  }
0x3c: {  	v2 =	vld [tilespmem:$0x130];
	_ =	sdelay $0x7  }
0x3d: {  	[tilespmem:v2+s10+$0x0] =	vst.idx.msk $0xffff, v1  }
0x3e: {  	v2 =	vld [tilespmem:$0x140];
	_ =	sdelay $0x7  }
0x3f: {  	[tilespmem:v2+s10+$0x0] =	vst.idx.msk $0xffff, v1  }
0x40: {  	v2 =	vld [tilespmem:$0x150];
	_ =	sdelay $0x7  }
0x41: {  	[tilespmem:v2+s10+$0x0] =	vst.idx.msk $0xffff, v1  }
0x42: {  	v2 =	vld [tilespmem:$0x160];
	_ =	sdelay $0x7  }
0x43: {  	[tilespmem:v2+s10+$0x0] =	vst.idx.msk $0xffff, v1  }
0x44: {  	v2 =	vld [tilespmem:$0x170];
	_ =	sdelay $0x7  }
0x45: {  	[tilespmem:v2+s10+$0x0] =	vst.idx.msk $0xffff, v1  }
0x46: {  	v2 =	vld [tilespmem:$0x180];
	_ =	sdelay $0x7  }
0x47: {  	[tilespmem:v2+s10+$0x0] =	vst.idx.msk $0xffff, v1  }
0x48: {  	v2 =	vld [tilespmem:$0x190];
	_ =	sdelay $0x7  }
0x49: {  	[tilespmem:v2+s10+$0x0] =	vst.idx.msk $0xffff, v1  }
0x4a: {  	v2 =	vld [tilespmem:$0x1A0];
	_ =	sdelay $0x7  }
0x4b: {  	[tilespmem:v2+s10+$0x0] =	vst.idx.msk $0xffff, v1  }
0x4c: {  	v2 =	vld [tilespmem:$0x1B0];
	_ =	sdelay $0x7  }
0x4d: {  	[tilespmem:v2+s10+$0x0] =	vst.idx.msk $0xffff, v1  }
0x4e: {  	v2 =	vld [tilespmem:$0x1C0];
	_ =	sdelay $0x7  }
0x4f: {  	[tilespmem:v2+s10+$0x0] =	vst.idx.msk $0xffff, v1  }
0x50: {  	v2 =	vld [tilespmem:$0x1D0];
	_ =	sdelay $0x7  }
0x51: {  	[tilespmem:v2+s10+$0x0] =	vst.idx.msk $0xffff, v1  }
0x52: {  	v2 =	vld [tilespmem:$0x1E0];
	_ =	sdelay $0x7  }
0x53: {  	[tilespmem:v2+s10+$0x0] =	vst.idx.msk $0xffff, v1  }
0x54: {  	v2 =	vld [tilespmem:$0x1F0];
	_ =	sdelay $0x7  }
0x55: {  	[tilespmem:v2+s10+$0x0] =	vst.idx.msk $0xffff, v1  }
0x56: {  	[hbm4b:s5+s2] =	stream.linear.scatter [tilespmem:s10], [sflag:$0x2], $0x2000, $0x38;
	[tilespmem:$0x6200] =	vst v63  }
0x57: {  	_ =	swait.ge [sflag:s8], $0x2000  }
0x58: {  	[sflag:s8] =	ssyncset.done $0x0  }
0x59: {  	[sflag:s8] =	ssyncadd.s32 $0xFFFFE000  }
0x5a: {  	s12 =	sadd.s32 $0x1, s12;
	_ =	swait.ge [sflag:s11], $0x4000  }
0x5b: {  	p0 =	sne.s32 s12, s7;
	[sflag:s11] =	ssyncset.done $0x0  }
.Ltmp1:
0x5c: {  	[sflag:s11] =	ssyncadd.s32 $0xFFFFC000;
	(pc) =	sbr.rel @p0 .LBB2_1-.Ltmp1, $4  }
0x5d: {  	[hbm4b:s6+s2] =	stream.linear.scatter [tilespmem:s9], [sflag:$0x2], $0x4000, $0x38;
	[tilespmem:$0x6200] =	vst v63  }
0x5e: {  	_ =	swait.ge [sflag:s8], $0x4000  }
0x5f: {  	[sflag:s8] =	ssyncset.done $0x0  }
0x60: {  	[sflag:s8] =	ssyncadd.s32 $0xFFFFC000  }
0x61: {  	_ =	sfence.sel $0x180000  }
0x62: {  	[bflag:$0x0] =	sbarrier.arrive $0xFFFF  }
0x63: {  	p0 =	sne.s32 s1, $0x0;
	_ =	strace $0x9000004D  }
0x64: {  	s0 =	sadd.s32 @!p0 $0x100000, s0;
	[bflag:$0x2] =	sbarrier.arrive $0xFFFF  }
0x65: {  	[sflag:s0] =	ssyncadd.tile.s32 @!p0 $0x1;
	_ =	shalt  }
.Lfunc_end2:
_tile_overlayer_lowered:
.L_overlay_start_2:
0x66: {  	(tag) =	ssettag $0x2  }
0x67: {  	s0 =	rddreg [dreg:$0x0];
	s2 =	stileid.u32  }
0x68: {  	s1 =	rddreg [dreg:$0x1];
	p0 =	sne.s32 s2, $0x0  }
0x69: {  	s3 =	rddreg [dreg:$0x2];
	[bflag:$0x3] =	sbarrier.arrive $0xFFFF;
	s2 =	simm.s32 @!p0 $0x1C02  }
0x6a: {  	[timem:s3], [sflag:s2] =	dma.local @!p0 [hbm:s0], s1  }
0x6b: {  	s0 =	simm.s32 @!p0 $0x2  }
0x6c: {  	_ =	swait.ge @!p0 [sflag:s0], s1  }
0x6d: {  	s1 =	ssub.s32 @!p0 $0x0, s1;
	[sflag:s0] =	ssyncset.done @!p0 $0x0  }
0x6e: {  	[sflag:s0] =	ssyncadd.s32 @!p0 s1  }
0x6f: {  	[bflag:$0x3] =	sbarrier.arrive $0xFFFF  }
0x70: {  	_ =	shalt  }

// kernel: kernel.21.cloned.1.call-start
scs
__scs_entry_jumppad:
0x0: {  	(pc) =	sbr.rel $0x88, $3  }
0x1: {  	(tag) =	ssettag $0x0;
	lr =	simm.s32 $0x1  }
0x2: {  	[smem:$0x3F9F] =	sst lr;
	_ =	strace $0xD0000000  }
0x3: {  	_ = 	snop  }
0x4: {  	_ = 	snop  }
0x5: {  	_ = 	snop  }
0x6: {  	_ = 	snop  }
0x7: {  	_ = 	snop  }
__scs_overlays_trampoline_lowered:
0x8: {  	[smem:$0x3FAE] =	sst s0  }
0x9: {  	[smem:$0x3FAF] =	sst s1  }
0xa: {  	[smem:$0x3FB0] =	sst s2  }
0xb: {  	[smem:$0x3FB1] =	sst s3  }
0xc: {  	[smem:$0x3FB2] =	sst s4  }
0xd: {  	[smem:$0x3FB3] =	sst s5  }
0xe: {  	[smem:$0x3FB4] =	sst s6  }
0xf: {  	[smem:$0x3FB5] =	sst s7  }
0x10: {  	[smem:$0x3FB6] =	sst s8  }
0x11: {  	[smem:$0x3FB7] =	sst s9;
	s0 =	simm.s32 @!p0 $0x0  }
0x12: {  	s1 =	sld [smem:$0x3F9D];
	s0 =	simm.s32 @p0 $0x1  }
0x13: {  	[smem:$0x3FB8] =	sst s0;
	s0 =	simm.s32 @!p1 $0x0  }
0x14: {  	s2 =	sld [smem:$0x3F9C];
	s0 =	simm.s32 @p1 $0x1  }
0x15: {  	[smem:$0x3FB9] =	sst s0;
	s0 =	simm.s32 @!p2 $0x0  }
0x16: {  	s3 =	sld [smem:$0x3FDB];
	s0 =	simm.s32 @p2 $0x1  }
0x17: {  	s4 =	simm.s32 $0x1BF5;
	[smem:$0x3FBB] =	sst s0  }
0x18: {  	s0 =	sld [smem:$0x3F9E];
	_ =	swait.ge [sflag:s4], $0x0  }
0x19: {  	s7 =	sld [smem:$0x3F9F]  }
0x1a: {  	s8 =	sadd.s32 $0xFFFFE003, lr  }
0x1b: {  	s9 =	sadd.s32 $0xFFFFFEF7, lr;
	s5 =	simm.s32 $0xFFFFFFFF;
	p2 =	slt.u32 s8, $0xFFFFF086  }
0x1c: {  	p1 =	slt.u32 s9, $0xF7A;
	s5 =	simm.s32 @!p2 $0x0  }
0x1d: {  	s5 =	simm.s32 @p1 $0x1;
	p0 =	seq.s32 s7, s2  }
0x1e: {  	s7 =	smul.u32 @!p0 $0xF7A, s2;
	p2 =	seq.s32 @!p0 s5, $0x0  }
0x1f: {  	s9 =	smul.u32 $0xF7A, s1;
	s8 =	simm.s32 @!p0 $0x1BF5;
	p2 =	por !p2, p0  }
0x20: {  	[sflag:s8] =	ssyncset.s32 @!p0 $0xFFFFF086;
	s6 =	sadd.s32 @!p0 s3, s7;
	s7 =	simm.s32 @!p0 $0x108  }
0x21: {  	s3 =	sadd.s32 s3, s9;
	s6 =	sadd.s32 @!p0 $0x88, s6;
	s7 =	simm.s32 @p2 $0x1082  }
0x22: {  	[simem:s7], [sflag:s8] =	dma.local @!p0 [hbm:s6], $0xF7A  }
0x23: {  	s9 =	sor.u32 $0xD0000000, s2;
	s6 =	simm.s32 $0x108;
	_ =	swait.ge @!p0 [sflag:s8], $0x0  }
0x24: {  	s3 =	sadd.s32 $0x88, s3;
	s6 =	simm.s32 @!p1 $0x1082;
	[sflag:s4] =	ssyncset.s32 $0xFFFFF086  }
0x25: {  	[simem:s6], [sflag:s4] =	dma.local [hbm:s3], $0xF7A  }
0x26: {  	[smem:$0x3F9F] =	sst s1;
	(tag) =	ssettag s2;
	_ =	strace s9  }
0x27: {  	s1 =	sld [smem:$0x3FAF]  }
0x28: {  	s2 =	sld [smem:$0x3FB0]  }
0x29: {  	s4 =	sld [smem:$0x3FB2]  }
0x2a: {  	p0 =	seq.s32 s5, $0x0;
	s5 =	sld [smem:$0x3FB3]  }
0x2b: {  	s6 =	sld [smem:$0x3FB4]  }
0x2c: {  	s7 =	sld [smem:$0x3FB5]  }
0x2d: {  	s3 =	simm.s32 $0x108;
	s8 =	sld [smem:$0x3FB6]  }
0x2e: {  	s3 =	simm.s32 @!p0 $0x1082;
	s9 =	sld [smem:$0x3FB7]  }
0x2f: {  	lr =	sadd.s32 s0, s3;
	s0 =	sld [smem:$0x3FAE]  }
0x30: {  	s3 =	sld [smem:$0x3FB1]  }
0x31: {  	[smem:$0x3FBA] =	sst s10  }
0x32: {  	s10 =	sld [smem:$0x3FB8];
	_ =	sdelay $0x3  }
0x33: {  	p0 =	seq.s32 s10, $0x1;
	s10 =	sld [smem:$0x3FBA];
	_ =	sdelay $0x3  }
0x34: {  	[smem:$0x3FBA] =	sst s10  }
0x35: {  	s10 =	sld [smem:$0x3FB9];
	_ =	sdelay $0x3  }
0x36: {  	p1 =	seq.s32 s10, $0x1;
	s10 =	sld [smem:$0x3FBA];
	_ =	sdelay $0x3  }
0x37: {  	[smem:$0x3FBA] =	sst s10  }
0x38: {  	s10 =	sld [smem:$0x3FBB]  }
0x39: {  	_ = 	snop;
	(pc) =	sbr.ind lr, $3  }
0x3a: {  	_ = 	snop  }
0x3b: {  	_ = 	snop  }
0x3c: {  	p2 =	seq.s32 s10, $0x1;
	s10 =	sld [smem:$0x3FBA]  }
0x3d: {  	_ =	shalt  }
0x3e: {  	_ =	shalt  }
0x3f: {  	_ =	shalt  }
0x40: {  	_ =	shalt  }
0x41: {  	_ =	shalt  }
0x42: {  	_ =	shalt  }
0x43: {  	_ =	shalt  }
0x44: {  	_ =	shalt  }
0x45: {  	_ =	shalt  }
0x46: {  	_ =	shalt  }
0x47: {  	_ =	shalt  }
0x48: {  	_ =	shalt  }
0x49: {  	_ =	shalt  }
0x4a: {  	_ =	shalt  }
0x4b: {  	_ =	shalt  }
0x4c: {  	_ =	shalt  }
0x4d: {  	_ =	shalt  }
0x4e: {  	_ =	shalt  }
0x4f: {  	_ =	shalt  }
0x50: {  	_ =	shalt  }
0x51: {  	_ =	shalt  }
0x52: {  	_ =	shalt  }
0x53: {  	_ =	shalt  }
0x54: {  	_ =	shalt  }
0x55: {  	_ =	shalt  }
0x56: {  	_ =	shalt  }
0x57: {  	_ =	shalt  }
0x58: {  	_ =	shalt  }
0x59: {  	_ =	shalt  }
0x5a: {  	_ =	shalt  }
0x5b: {  	_ =	shalt  }
0x5c: {  	_ =	shalt  }
0x5d: {  	_ =	shalt  }
0x5e: {  	_ =	shalt  }
0x5f: {  	_ =	shalt  }
0x60: {  	_ =	shalt  }
0x61: {  	_ =	shalt  }
0x62: {  	_ =	shalt  }
0x63: {  	_ =	shalt  }
0x64: {  	_ =	shalt  }
0x65: {  	_ =	shalt  }
0x66: {  	_ =	shalt  }
0x67: {  	_ =	shalt  }
0x68: {  	_ =	shalt  }
0x69: {  	_ =	shalt  }
0x6a: {  	_ =	shalt  }
0x6b: {  	_ =	shalt  }
0x6c: {  	_ =	shalt  }
0x6d: {  	_ =	shalt  }
0x6e: {  	_ =	shalt  }
0x6f: {  	_ =	shalt  }
0x70: {  	_ =	shalt  }
0x71: {  	_ =	shalt  }
0x72: {  	_ =	shalt  }
0x73: {  	_ =	shalt  }
0x74: {  	_ =	shalt  }
0x75: {  	_ =	shalt  }
0x76: {  	_ =	shalt  }
0x77: {  	_ =	shalt  }
0x78: {  	_ =	shalt  }
0x79: {  	_ =	shalt  }
0x7a: {  	_ =	shalt  }
0x7b: {  	_ =	shalt  }
0x7c: {  	_ =	shalt  }
0x7d: {  	_ =	shalt  }
0x7e: {  	_ =	shalt  }
0x7f: {  	_ =	shalt  }
0x80: {  	_ =	shalt  }
0x81: {  	_ =	shalt  }
0x82: {  	_ =	shalt  }
0x83: {  	_ =	shalt  }
0x84: {  	_ =	shalt  }
0x85: {  	_ =	shalt  }
0x86: {  	_ =	shalt  }
0x87: {  	_ =	shalt  }
.Lfunc_end0:
.L_simem_size_0:
called_computation.3_lowered:
.L_overlay_start_0:
0x88: {  	s2 =	sld [smem:$0x3FD9]  }
0x89: {  	s3 =	sld [smem:$0x3FFE];
	_ =	sdelay $0x1  }
0x8a: {  	s1 =	srdreg.scid  }
0x8b: {  	s0 =	sand.u32 $0x1, s1  }
0x8c: {  	s14 =	sshll.u32 s0, $0xA;
	s2 =	sadd.s32 s3, s2  }
0x8d: {  	s2 =	sadd.s32 s2, s14  }
0x8e: {  	[smem:$0x3FC6] =	sst s2  }
0x8f: {  	_ = 	snop  }
0x90: {  	s2 =	sld [smem:$0x3FD0];
	_ =	sdelay $0x2  }
0x91: {  	s15 =	simm.s32 $0xA;
	s4 =	simm.s32 $0x10  }
0x92: {  	[smem:s4], [sflag:s15] =	dma.local [hbm:s2], $0x1  }
0x93: {  	_ =	swait.eq [sflag:s15], $0x1  }
0x94: {  	[sflag:s15] =	ssyncset.done $0x0  }
0x95: {  	[sflag:s15] =	ssyncadd.s32 $0xFFFFFFFF  }
0x96: {  	s16 =	sld [smem:$0x10];
	(tm) =	ssettm $0x1  }
0x97: {  	s17 =	sld [smem:$0x3FFB];
	_ =	sdelay $0x3  }
0x98: {  	_ =	strace s17  }
0x99: {  	s3 =	sld [smem:$0x3FFC];
	_ =	sdelay $0x3  }
0x9a: {  	_ =	strace s3  }
0x9b: {  	s3 =	sld [smem:$0x3FFD];
	_ =	sdelay $0x3  }
0x9c: {  	_ =	strace s3  }
0x9d: {  	_ =	strace $0x8FFFFFFF  }
0x9e: {  	s18 =	sld [smem:$0x3FDB];
	_ =	sdelay $0x1  }
0x9f: {  	s19 =	simm.s32 $_scs_section_size  }
0xa0: {  	s5 =	simm.s32 $_size__tile_overlayer_lowered;
	s6 =	simm.s32 $_tile_overlayer_lowered  }
0xa1: {  	s22 =	simm.s32 $0x1BFF;
	s21 =	sshll.u32 s6, $0x1;
	s3 =	sadd.s32 s19, s18  }
0xa2: {  	s7 =	simm.s32 $0x0;
	s20 =	sshll.u32 s5, $0x1;
	s5 =	sadd.s32 s21, s3  }
0xa3: {  	[timem:s7], [sflag:s22] =	dma.local [hbm:s5], s20  }
0xa4: {  	_ =	swait.ge [sflag:s22], s20  }
0xa5: {  	s4 =	ssub.s32 $0x0, s20;
	[sflag:s22] =	ssyncset.done $0x0  }
0xa6: {  	[sflag:s22] =	ssyncadd.s32 s4;
	_ =	sdelay $0x1  }
0xa7: {  	s23 =	simm.s32 $0x1B8B  }
0xa8: {  	_ =	swait.ge [sflag:s23], $0x1  }
0xa9: {  	[sflag:s23] =	ssyncset.done $0x0  }
0xaa: {  	s25 =	simm.s32 $0x1B8E;
	s24 =	sld [smem:$0x3FFE];
	[sflag:s23] =	ssyncadd.s32 $0xFFFFFFFF  }
0xab: {  	s26 =	simm.s32 $execute0_lowered;
	[smem:$0x3FD2] =	sst s25  }
0xac: {  	s5 =	sshll.u32 s26, $0x1;
	_ =	strace $0x8000004F;
	[dreg:$0x1] =	wrdreg $0xFFFFFFFF  }
0xad: {  	s28 =	simm.s32 $_size_execute0_lowered;
	s3 =	sadd.s32 s3, s5;
	[dreg:$0x0] =	wrdreg $0x0  }
0xae: {  	s5 =	sshll.u32 s28, $0x1;
	[dreg:$0x2] =	wrdreg s3  }
0xaf: {  	[dreg:$0x3] =	wrdreg s5  }
0xb0: {  	[dreg:$0x4] =	wrdreg $0xC0  }
0xb1: {  	_ =	task [dreg:s7], $0x5FFFF  }
0xb2: {  	[dreg:$0x1] =	wrdreg $0xFFFFFFFF  }
0xb3: {  	[dreg:$0x0] =	wrdreg $0x60  }
0xb4: {  	[dreg:$0x2] =	wrdreg s24  }
0xb5: {  	[dreg:$0x3] =	wrdreg s16  }
0xb6: {  	[dreg:$0x4] =	wrdreg $0x9  }
0xb7: {  	_ =	task.clear_ibuf [dreg:s7], $0x5FFFF;
	_ =	strace $0x9000004F  }
0xb8: {  	s29 =	simm.s32 $0x9;
	_ =	strace $0x80000051  }
0xb9: {  	_ =	swait.ge [sflag:s29], $0x1  }
0xba: {  	[sflag:s29] =	ssyncadd.s32 $0xFFFFFFFF  }
0xbb: {  	_ =	strace $0x90000051  }
0xbc: {  	_ =	sfence  }
0xbd: {  	s30 =	sld [smem:$0x0];
	_ =	sdelay $0x2  }
0xbe: {  	s31 =	sshll.u32 s1, $0xD;
	s1 =	sshrl.u32 s1, $0x2  }
0xbf: {  	s3 =	sand.u32 $0x4000, s31;
	s1 =	sadd.s32 s1, s30  }
0xc0: {  	s0 =	sor.u32 s3, s0;
	s1 =	sshll.u32 s1, $0x11  }
0xc1: {  	s0 =	sor.u32 s1, s0  }
0xc2: {  	s0 =	sadd.s32 $0x8F2B, s0  }
0xc3: {  	[sflag:s0] =	ssyncadd.remote.s32 $0x1  }
0xc4: {  	_ =	sfence.sel $0xFFFF  }
0xc5: {  	[dreg:$0x0] =	wrdreg $0xFFFFFFFF;
	(pc) =	sbr.abs _section_cstart, $3  }
0xc6: {  	[dreg:$0x1] =	wrdreg $0xFFFFFFFF  }
0xc7: {  	_ =	task.clear_ibuf [dreg:s7], $0x2FFFF;
	_ =	strace $0x9FFFFFFF  }
0xc8: {  	(tm) =	ssettm $0x7FFFFFFF  }
0xc9: {  	_ =	shalt  }
tec
execute0_lowered:
.L_overlay_start_1:
0x0: {  	(tag) =	ssettag $0x1  }
0x1: {  	s4 =	rddreg [dreg:$0x0]  }
0x2: {  	s6 =	rddreg [dreg:$0x1]  }
0x3: {  	s0 =	rddreg [dreg:$0x2];
	s2 =	simm.s32 $0x0;
	s3 =	srdreg.scid  }
0x4: {  	s1 =	stileid.u32;
	s11 =	simm.s32 $0x1;
	s12 =	simm.s32 $0x0  }
0x5: {  	[smem:$0x7FF] =	sst s2;
	s5 =	sand.u32 $0x1, s3;
	s31 =	sshll.u32 s1, $0x1  }
0x6: {  	s3 =	sadd.s32 $0x6BE00, s4;
	_ =	strace $0x80000050;
	s7 =	sor.u32 s5, s31  }
0x7: {  	s5 =	ssub.s32 $0x2, s5;
	s8 =	sshll.u32 s7, $0x6;
	s9 =	sshll.u32 s7, $0xA  }
0x8: {  	s10 =	sshrl.u32 s5, $0x1;
	s7 =	sshll.u32 s7, $0xB;
	s8 =	sadd.s32 s8, s4  }
0x9: {  	s9 =	sadd.s32 s9, s4;
	s10 =	ssub.s32 s5, s10;
	s6 =	sadd.s32 s6, s7  }
0xa: {  	s4 =	sadd.s32 $0x5400, s8;
	s5 =	sadd.s32 $0x63E00, s9;
	s7 =	smax.u32 s10, $0x1  }
0xb: {  	v0 =	vimm.f32 $0.0e+00;
	v1 =	vimm.f32 $1.000000000e+00;
	s8 =	simm.s32 $0x2;
	s9 =	simm.s32 $0x200;
	s10 =	simm.s32 $0x4200  }
.LBB2_1:
0xc: {  	[tilespmem:s2], [sflag:$0x2] =	stream.linear.gather [hbm4b:s4+s2], $0x200, $0x38;
	[tilespmem:$0x6200] =	vst v63  }
0xd: {  	_ =	swait.ge [sflag:s8], $0x200  }
0xe: {  	[sflag:s8] =	ssyncset.done $0x0  }
0xf: {  	s13 =	simm.s32 $0x40;
	s14 =	simm.s32 $0x0;
	[sflag:s8] =	ssyncadd.s32 $0xFFFFFE00  }
0x10: {  	[tilespmem:s9], [sflag:$0x1] =	stream.indirect.gather [hbm4b:s3+s9], $0x20, s2, s9, $0xb8;
	[tilespmem:$0x6200] =	vst v63  }
.LBB2_2:
0x11: {  	p0 =	sne.s32 s13, $0x7FC0;
	[tilespmem:s14+$0x4200] =	vst v0;
	s14 =	smov.u32 s13;
	s13 =	sadd.s32 $0x40, s13  }
.Ltmp0:
0x12: {  	(pc) =	sbr.rel @p0 .LBB2_2-.Ltmp0, $2  }
0x13: {  	_ =	sdelay $0x2  }
0x14: {  	s14 =	sshra.s32 s14, $0x2  }
0x15: {  	[tilespmem:s14+$0x4200] =	vst v0  }
0x16: {  	v2 =	vld [tilespmem:$0x0];
	_ =	sdelay $0x7  }
0x17: {  	[tilespmem:v2+s10+$0x0] =	vst.idx.msk $0xffff, v1  }
0x18: {  	v2 =	vld [tilespmem:$0x10];
	_ =	sdelay $0x7  }
0x19: {  	[tilespmem:v2+s10+$0x0] =	vst.idx.msk $0xffff, v1  }
0x1a: {  	v2 =	vld [tilespmem:$0x20];
	_ =	sdelay $0x7  }
0x1b: {  	[tilespmem:v2+s10+$0x0] =	vst.idx.msk $0xffff, v1  }
0x1c: {  	v2 =	vld [tilespmem:$0x30];
	_ =	sdelay $0x7  }
0x1d: {  	[tilespmem:v2+s10+$0x0] =	vst.idx.msk $0xffff, v1  }
0x1e: {  	v2 =	vld [tilespmem:$0x40];
	_ =	sdelay $0x7  }
0x1f: {  	[tilespmem:v2+s10+$0x0] =	vst.idx.msk $0xffff, v1  }
0x20: {  	v2 =	vld [tilespmem:$0x50];
	_ =	sdelay $0x7  }
0x21: {  	[tilespmem:v2+s10+$0x0] =	vst.idx.msk $0xffff, v1  }
0x22: {  	v2 =	vld [tilespmem:$0x60];
	_ =	sdelay $0x7  }
0x23: {  	[tilespmem:v2+s10+$0x0] =	vst.idx.msk $0xffff, v1  }
0x24: {  	v2 =	vld [tilespmem:$0x70];
	_ =	sdelay $0x7  }
0x25: {  	[tilespmem:v2+s10+$0x0] =	vst.idx.msk $0xffff, v1  }
0x26: {  	v2 =	vld [tilespmem:$0x80];
	_ =	sdelay $0x7  }
0x27: {  	[tilespmem:v2+s10+$0x0] =	vst.idx.msk $0xffff, v1  }
0x28: {  	v2 =	vld [tilespmem:$0x90];
	_ =	sdelay $0x7  }
0x29: {  	[tilespmem:v2+s10+$0x0] =	vst.idx.msk $0xffff, v1  }
0x2a: {  	v2 =	vld [tilespmem:$0xA0];
	_ =	sdelay $0x7  }
0x2b: {  	[tilespmem:v2+s10+$0x0] =	vst.idx.msk $0xffff, v1  }
0x2c: {  	v2 =	vld [tilespmem:$0xB0];
	_ =	sdelay $0x7  }
0x2d: {  	[tilespmem:v2+s10+$0x0] =	vst.idx.msk $0xffff, v1  }
0x2e: {  	v2 =	vld [tilespmem:$0xC0];
	_ =	sdelay $0x7  }
0x2f: {  	[tilespmem:v2+s10+$0x0] =	vst.idx.msk $0xffff, v1  }
0x30: {  	v2 =	vld [tilespmem:$0xD0];
	_ =	sdelay $0x7  }
0x31: {  	[tilespmem:v2+s10+$0x0] =	vst.idx.msk $0xffff, v1  }
0x32: {  	v2 =	vld [tilespmem:$0xE0];
	_ =	sdelay $0x7  }
0x33: {  	[tilespmem:v2+s10+$0x0] =	vst.idx.msk $0xffff, v1  }
0x34: {  	v2 =	vld [tilespmem:$0xF0];
	_ =	sdelay $0x7  }
0x35: {  	[tilespmem:v2+s10+$0x0] =	vst.idx.msk $0xffff, v1  }
0x36: {  	v2 =	vld [tilespmem:$0x100];
	_ =	sdelay $0x7  }
0x37: {  	[tilespmem:v2+s10+$0x0] =	vst.idx.msk $0xffff, v1  }
0x38: {  	v2 =	vld [tilespmem:$0x110];
	_ =	sdelay $0x7  }
0x39: {  	[tilespmem:v2+s10+$0x0] =	vst.idx.msk $0xffff, v1  }
0x3a: {  	v2 =	vld [tilespmem:$0x120];
	_ =	sdelay $0x7  }
0x3b: {  	[tilespmem:v2+s10+$0x0] =	vst.idx.msk $0xffff, v1  }
0x3c: {  	v2 =	vld [tilespmem:$0x130];
	_ =	sdelay $0x7  }
0x3d: {  	[tilespmem:v2+s10+$0x0] =	vst.idx.msk $0xffff, v1  }
0x3e: {  	v2 =	vld [tilespmem:$0x140];
	_ =	sdelay $0x7  }
0x3f: {  	[tilespmem:v2+s10+$0x0] =	vst.idx.msk $0xffff, v1  }
0x40: {  	v2 =	vld [tilespmem:$0x150];
	_ =	sdelay $0x7  }
0x41: {  	[tilespmem:v2+s10+$0x0] =	vst.idx.msk $0xffff, v1  }
0x42: {  	v2 =	vld [tilespmem:$0x160];
	_ =	sdelay $0x7  }
0x43: {  	[tilespmem:v2+s10+$0x0] =	vst.idx.msk $0xffff, v1  }
0x44: {  	v2 =	vld [tilespmem:$0x170];
	_ =	sdelay $0x7  }
0x45: {  	[tilespmem:v2+s10+$0x0] =	vst.idx.msk $0xffff, v1  }
0x46: {  	v2 =	vld [tilespmem:$0x180];
	_ =	sdelay $0x7  }
0x47: {  	[tilespmem:v2+s10+$0x0] =	vst.idx.msk $0xffff, v1  }
0x48: {  	v2 =	vld [tilespmem:$0x190];
	_ =	sdelay $0x7  }
0x49: {  	[tilespmem:v2+s10+$0x0] =	vst.idx.msk $0xffff, v1  }
0x4a: {  	v2 =	vld [tilespmem:$0x1A0];
	_ =	sdelay $0x7  }
0x4b: {  	[tilespmem:v2+s10+$0x0] =	vst.idx.msk $0xffff, v1  }
0x4c: {  	v2 =	vld [tilespmem:$0x1B0];
	_ =	sdelay $0x7  }
0x4d: {  	[tilespmem:v2+s10+$0x0] =	vst.idx.msk $0xffff, v1  }
0x4e: {  	v2 =	vld [tilespmem:$0x1C0];
	_ =	sdelay $0x7  }
0x4f: {  	[tilespmem:v2+s10+$0x0] =	vst.idx.msk $0xffff, v1  }
0x50: {  	v2 =	vld [tilespmem:$0x1D0];
	_ =	sdelay $0x7  }
0x51: {  	[tilespmem:v2+s10+$0x0] =	vst.idx.msk $0xffff, v1  }
0x52: {  	v2 =	vld [tilespmem:$0x1E0];
	_ =	sdelay $0x7  }
0x53: {  	[tilespmem:v2+s10+$0x0] =	vst.idx.msk $0xffff, v1  }
0x54: {  	v2 =	vld [tilespmem:$0x1F0];
	_ =	sdelay $0x7  }
0x55: {  	[tilespmem:v2+s10+$0x0] =	vst.idx.msk $0xffff, v1  }
0x56: {  	[hbm4b:s5+s2] =	stream.linear.scatter [tilespmem:s10], [sflag:$0x2], $0x2000, $0x38;
	[tilespmem:$0x6200] =	vst v63  }
0x57: {  	_ =	swait.ge [sflag:s8], $0x2000  }
0x58: {  	[sflag:s8] =	ssyncset.done $0x0  }
0x59: {  	[sflag:s8] =	ssyncadd.s32 $0xFFFFE000  }
0x5a: {  	s12 =	sadd.s32 $0x1, s12;
	_ =	swait.ge [sflag:s11], $0x4000  }
0x5b: {  	p0 =	sne.s32 s12, s7;
	[sflag:s11] =	ssyncset.done $0x0  }
.Ltmp1:
0x5c: {  	[sflag:s11] =	ssyncadd.s32 $0xFFFFC000;
	(pc) =	sbr.rel @p0 .LBB2_1-.Ltmp1, $4  }
0x5d: {  	[hbm4b:s6+s2] =	stream.linear.scatter [tilespmem:s9], [sflag:$0x2], $0x4000, $0x38;
	[tilespmem:$0x6200] =	vst v63  }
0x5e: {  	_ =	swait.ge [sflag:s8], $0x4000  }
0x5f: {  	[sflag:s8] =	ssyncset.done $0x0  }
0x60: {  	[sflag:s8] =	ssyncadd.s32 $0xFFFFC000  }
0x61: {  	_ =	sfence.sel $0x180000  }
0x62: {  	[bflag:$0x0] =	sbarrier.arrive $0xFFFF  }
0x63: {  	p0 =	sne.s32 s1, $0x0;
	_ =	strace $0x90000050  }
0x64: {  	s0 =	sadd.s32 @!p0 $0x100000, s0;
	[bflag:$0x2] =	sbarrier.arrive $0xFFFF  }
0x65: {  	[sflag:s0] =	ssyncadd.tile.s32 @!p0 $0x1;
	_ =	shalt  }
.Lfunc_end2:
_tile_overlayer_lowered:
.L_overlay_start_2:
0x66: {  	(tag) =	ssettag $0x2  }
0x67: {  	s0 =	rddreg [dreg:$0x0];
	s2 =	stileid.u32  }
0x68: {  	s1 =	rddreg [dreg:$0x1];
	p0 =	sne.s32 s2, $0x0  }
0x69: {  	s3 =	rddreg [dreg:$0x2];
	[bflag:$0x3] =	sbarrier.arrive $0xFFFF;
	s2 =	simm.s32 @!p0 $0x1C02  }
0x6a: {  	[timem:s3], [sflag:s2] =	dma.local @!p0 [hbm:s0], s1  }
0x6b: {  	s0 =	simm.s32 @!p0 $0x2  }
0x6c: {  	_ =	swait.ge @!p0 [sflag:s0], s1  }
0x6d: {  	s1 =	ssub.s32 @!p0 $0x0, s1;
	[sflag:s0] =	ssyncset.done @!p0 $0x0  }
0x6e: {  	[sflag:s0] =	ssyncadd.s32 @!p0 s1  }
0x6f: {  	[bflag:$0x3] =	sbarrier.arrive $0xFFFF  }
0x70: {  	_ =	shalt  }

</sc_bundles>
